<compile_context>
chip_gen: v7x
topology: tpu7x:2x2x1
jax: 0.10.2.dev20260603
libtpu: 0.0.44.dev20260713+nightly
codegen_flags: <defaults>
</compile_context>

<pallas_src>
import functools

import jax
import jax.numpy as jnp
from jax import lax
from jax.experimental import pallas as pl
from jax.experimental.pallas import tpu as pltpu
from jax.experimental.pallas import tpu_sc as plsc

N = 320000
C = 128
SMOOTH = 0.1
A_COEF = SMOOTH / (C - 1)
B_COEF = 1.0 - SMOOTH - A_COEF


BLK = 32000


def _dense_body(x_ref, out_ref):
    i = pl.program_id(0)
    x = x_ref[...]
    xc = jnp.clip(x, -80.0, 80.0)
    s = jnp.sum(jnp.exp(xc), axis=1, keepdims=True)
    lse = jnp.log(s)
    part = jnp.sum(lse) - A_COEF * jnp.sum(x)

    @pl.when(i == 0)
    def _init():
        out_ref[0, 0] = 0.0

    out_ref[0, 0] += part


_dense_call = pl.pallas_call(
    _dense_body,
    grid=(N // BLK,),
    in_specs=[pl.BlockSpec((BLK, C), lambda i: (i, 0))],
    out_specs=pl.BlockSpec((1, 1), lambda i: (0, 0), memory_space=pltpu.SMEM),
    out_shape=jax.ShapeDtypeStruct((1, 1), jnp.float32),
    compiler_params=pltpu.CompilerParams(
        dimension_semantics=("arbitrary",),
    ),
)


_NC = 2
_NS = 16
NW = _NC * _NS
RPW = N // NW
PAD = 10240
NROWS = PAD // 128

_sc_mesh = plsc.VectorSubcoreMesh(core_axis_name="c", subcore_axis_name="s")


@functools.partial(
    pl.kernel,
    mesh=_sc_mesh,
    out_type=jax.ShapeDtypeStruct((NW, 16), jnp.float32),
    scratch_types=[
        pltpu.VMEM((PAD,), jnp.int32),
        pltpu.VMEM((NROWS, 128), jnp.int32),
        pltpu.VMEM((NROWS, 128), jnp.float32),
        pltpu.VMEM((16,), jnp.float32),
        pltpu.SemaphoreType.DMA,
    ],
)
def _sc_gather(xf_hbm, t_hbm, out_hbm, traw_v, idx_v, vals_v, ovec_v, sem):
    wid = lax.axis_index("s") * _NC + lax.axis_index("c")
    base = wid * RPW

    pltpu.sync_copy(t_hbm.at[pl.ds(base, RPW)], traw_v.at[pl.ds(0, RPW)])

    lanes = lax.iota(jnp.int32, 16)

    def idx_body(j, carry):
        for k in range(128 // 16):
            off = j * 128 + k * 16
            slot = off + lanes
            t = traw_v[pl.ds(off, 16)]
            flat = (base + slot) * C + t
            idx_v[j, pl.ds(k * 16, 16)] = jnp.where(slot < RPW, flat, 0)
        return carry

    lax.fori_loop(0, NROWS, idx_body, 0)

    def fire_body(j, carry):
        pltpu.async_copy(xf_hbm.at[idx_v.at[j]], vals_v.at[j], sem)
        return carry

    lax.fori_loop(0, NROWS, fire_body, 0)

    def drain_body(j, carry):
        pltpu.make_async_copy(xf_hbm.at[idx_v.at[0]], vals_v.at[0], sem).wait()
        return carry

    lax.fori_loop(0, NROWS, drain_body, 0)

    def acc_body(j, a):
        for k in range(128 // 16):
            slot0 = j * 128 + k * 16
            g = vals_v[j, pl.ds(k * 16, 16)]
            a = a + jnp.where(slot0 + lanes < RPW, g, 0.0)
        return a

    acc = lax.fori_loop(0, NROWS, acc_body, jnp.zeros((16,), jnp.float32))

    ovec_v[...] = acc
    pltpu.sync_copy(ovec_v, out_hbm.at[wid])




def kernel(inputs, targets):
    xf = inputs.reshape(N * C)
    t32 = targets.astype(jnp.int32)
    sc_part = _sc_gather(xf, t32)
    dense_part = _dense_call(inputs)
    loss = (dense_part[0, 0] - B_COEF * jnp.sum(sc_part)) / N
    return loss

# --- scband reference (transcript-rebuilt; emitter-appended) ---
"""Pipeline reference for scband-pocket2-mol-66864050864779 (READ-ONLY COPY).

The authoritative reference and input builder live on the scoring server;
editing this copy changes nothing except your own understanding.
"""

import jax, jax.numpy as jnp
import numpy as np

SMOOTHING = 0.1

def setup_inputs(seed: int = 0) -> dict:
    key = jax.random.key(seed)
    k1, k2 = jax.random.split(key)
    inputs = jax.random.normal(k1, (320000, 128), dtype=jnp.float32)
    targets = jax.random.randint(k2, (320000,), 0, 128, dtype=jnp.int64 if jax.config.jax_enable_x64 else jnp.int32)
    return {"inputs": inputs, "targets": targets}

def reference(inputs, targets):
    n = targets.shape[0]
    n_classes = inputs.shape[-1]
    # smooth one-hot: fill smoothing/(C-1), scatter 1-smoothing at target index
    smooth_targets = jnp.full((n, n_classes), SMOOTHING / (n_classes - 1), dtype=jnp.float32)
    smooth_targets = smooth_targets.at[jnp.arange(n), targets].set(1.0 - SMOOTHING)
    lsm = jax.nn.log_softmax(inputs, axis=-1)
    loss = -(smooth_targets * lsm).sum(-1)
    return loss.mean()

if __name__ == "__main__":
    import jax
    _d = setup_inputs()
    print(jax.jit(kernel)(*tuple(_d.values())))

</pallas_src>

<mosaic_0001>
#map = affine_map<(d0, d1) -> (0)>
#map1 = affine_map<(d0, d1) -> (0, 0)>
module attributes {stable_mosaic.version = 14 : i64} {
  func.func @_sc_gather(%arg0: i32, %arg1: i32, %arg2: memref<40960000xf32, #tpu.memory_space<hbm>>, %arg3: memref<320000xi32, #tpu.memory_space<hbm>>, %arg4: memref<32x16xf32, #tpu.memory_space<hbm>>, %arg5: memref<10240xi32, #tpu.memory_space<vmem>>, %arg6: memref<80x128xi32, #tpu.memory_space<vmem>>, %arg7: memref<80x128xf32, #tpu.memory_space<vmem>>, %arg8: memref<16xf32, #tpu.memory_space<vmem>>, %arg9: memref<!tpu.dma_semaphore, #tpu.memory_space<semaphore_mem>>) attributes {dimension_semantics = [#tpu.dimension_semantics<core_parallel>, #tpu.dimension_semantics<subcore_parallel>], iteration_bounds = array<i64: 2, 16>, scalar_prefetch = 0 : i64, scratch_operands = 5 : i64, tpu.core_type = #tpu.core_type<sc_vector_subcore>, window_params = [{transform_indices = #map}, {transform_indices = #map}, {transform_indices = #map1}]} {
    %mul3A = arith.constant 2 : i32
    %mul3A_0 = arith.muli %arg1, %mul3A : i32
    %add3A = arith.addi %mul3A_0, %arg0 : i32
    %mul3A_1 = arith.constant 10000 : i32
    %mul3A_2 = arith.muli %add3A, %mul3A_1 : i32
    "tpu.region"() ({
      %run_scoped3A = tpu.sem_alloc : memref<!tpu.dma_semaphore, #tpu.memory_space<semaphore_mem>>
      %dma_start3A = arith.constant 0 : i32
      %dma_start3A_30 = tpu.memref_slice %arg5[%dma_start3A] : memref<10240xi32, #tpu.memory_space<vmem>> -> memref<10000xi32, #tpu.memory_space<vmem>>
      %dma_start3A_31 = tpu.memref_slice %arg3[%mul3A_2] : memref<320000xi32, #tpu.memory_space<hbm>> -> memref<10000xi32, #tpu.memory_space<hbm>>
      %dma_start3A_32 = arith.constant 0 : i32
      %dma_start3A_33 = tpu.memref_slice %arg5[%dma_start3A_32] : memref<10240xi32, #tpu.memory_space<vmem>> -> memref<10000xi32, #tpu.memory_space<vmem>>
      %dma_start3A_34 = tpu.memref_slice %arg3[%mul3A_2] : memref<320000xi32, #tpu.memory_space<hbm>> -> memref<10000xi32, #tpu.memory_space<hbm>>
      tpu.enqueue_dma source(%dma_start3A_34 : memref<10000xi32, #tpu.memory_space<hbm>>) target(%dma_start3A_33 : memref<10000xi32, #tpu.memory_space<vmem>>) target_semaphore(%run_scoped3A : memref<!tpu.dma_semaphore, #tpu.memory_space<semaphore_mem>>)
      %dma_wait3A = arith.constant 0 : i32
      %dma_wait3A_35 = tpu.memref_slice %arg5[%dma_wait3A] : memref<10240xi32, #tpu.memory_space<vmem>> -> memref<10000xi32, #tpu.memory_space<vmem>>
      %dma_wait3A_36 = tpu.memref_slice %arg3[%mul3A_2] : memref<320000xi32, #tpu.memory_space<hbm>> -> memref<10000xi32, #tpu.memory_space<hbm>>
      %dma_wait3A_37 = arith.constant 0 : i32
      %dma_wait3A_38 = tpu.memref_slice %arg5[%dma_wait3A_37] : memref<10240xi32, #tpu.memory_space<vmem>> -> memref<10000xi32, #tpu.memory_space<vmem>>
      %dma_wait3A_39 = tpu.memref_slice %arg3[%mul3A_2] : memref<320000xi32, #tpu.memory_space<hbm>> -> memref<10000xi32, #tpu.memory_space<hbm>>
      tpu.wait_dma2 semaphore(%run_scoped3A : memref<!tpu.dma_semaphore, #tpu.memory_space<semaphore_mem>>) src(%dma_wait3A_39 : memref<10000xi32, #tpu.memory_space<hbm>>) dst(%dma_wait3A_38 : memref<10000xi32, #tpu.memory_space<vmem>>)
      tpu.yield
    }) : () -> ()
    %iota3A = tpu.iota {dimensions = array<i32: 0>} : vector<16xi32>
    %scan3A = arith.constant 0 : i32
    %scan3A_3 = arith.constant 0 : i32
    %scan3A_4 = arith.constant 80 : i32
    %scan3A_5 = arith.addi %scan3A_3, %scan3A_4 : i32
    %scan3A_6 = arith.constant 1 : i32
    scf.for %scan3A_30 = %scan3A_3 to %scan3A_5 step %scan3A_6  : i32 {
      %mul3A_31 = arith.constant 128 : i32
      %mul3A_32 = arith.muli %scan3A_30, %mul3A_31 : i32
      %add3A_33 = arith.constant 0 : i32
      %add3A_34 = arith.addi %mul3A_32, %add3A_33 : i32
      %add3A_35 = vector.broadcast %add3A_34 : i32 to vector<16xi32>
      %add3A_36 = arith.addi %add3A_35, %iota3A : vector<16xi32>
      %get3A = arith.index_cast %add3A_34 : i32 to index
      %get3A_37 = tpu.vector_load %arg5[%get3A] {strides = array<i32>} : memref<10240xi32, #tpu.memory_space<vmem>>, vector<16xi32>,
      %get3A_38 = vector.shape_cast %get3A_37 : vector<16xi32> to vector<16xi32>
      %add3A_39 = vector.broadcast %mul3A_2 : i32 to vector<16xi32>
      %add3A_40 = arith.addi %add3A_39, %add3A_36 : vector<16xi32>
      %mul3A_41 = arith.constant 128 : i32
      %mul3A_42 = vector.broadcast %mul3A_41 : i32 to vector<16xi32>
      %mul3A_43 = arith.muli %add3A_40, %mul3A_42 : vector<16xi32>
      %add3A_44 = arith.addi %mul3A_43, %get3A_38 : vector<16xi32>
      %lt3A = arith.constant 10000 : i32
      %lt3A_45 = vector.broadcast %lt3A : i32 to vector<16xi32>
      %lt3A_46 = arith.cmpi slt, %add3A_36, %lt3A_45 : vector<16xi32>
      %jit3A = arith.constant 0 : i32
      %broadcast_in_dim3A_47 = vector.broadcast %jit3A : i32 to vector<16xi32>
      %select_n3A = arith.select %lt3A_46, %add3A_44, %broadcast_in_dim3A_47 : vector<16xi1>, vector<16xi32>
      %swap3A_48 = arith.index_cast %scan3A_30 : i32 to index
      %swap3A_49 = arith.constant 0 : index
      %swap3A_50 = tpu.vector_load %arg6[%swap3A_48, %swap3A_49] {strides = array<i32>} : memref<80x128xi32, #tpu.memory_space<vmem>>, vector<1x16xi32>,
      %swap3A_51 = vector.shape_cast %swap3A_50 : vector<1x16xi32> to vector<16xi32>
      %swap3A_52 = vector.shape_cast %select_n3A : vector<16xi32> to vector<1x16xi32>
      tpu.vector_store %arg6[%swap3A_48, %swap3A_49], %swap3A_52 {strides = array<i32>} : memref<80x128xi32, #tpu.memory_space<vmem>>, vector<1x16xi32>,
      %mul3A_53 = arith.constant 128 : i32
      %mul3A_54 = arith.muli %scan3A_30, %mul3A_53 : i32
      %add3A_55 = arith.constant 16 : i32
      %add3A_56 = arith.addi %mul3A_54, %add3A_55 : i32
      %add3A_57 = vector.broadcast %add3A_56 : i32 to vector<16xi32>
      %add3A_58 = arith.addi %add3A_57, %iota3A : vector<16xi32>
      %get3A_59 = arith.index_cast %add3A_56 : i32 to index
      %get3A_60 = tpu.vector_load %arg5[%get3A_59] {strides = array<i32>} : memref<10240xi32, #tpu.memory_space<vmem>>, vector<16xi32>,
      %get3A_61 = vector.shape_cast %get3A_60 : vector<16xi32> to vector<16xi32>
      %add3A_62 = vector.broadcast %mul3A_2 : i32 to vector<16xi32>
      %add3A_63 = arith.addi %add3A_62, %add3A_58 : vector<16xi32>
      %mul3A_64 = arith.constant 128 : i32
      %mul3A_65 = vector.broadcast %mul3A_64 : i32 to vector<16xi32>
      %mul3A_66 = arith.muli %add3A_63, %mul3A_65 : vector<16xi32>
      %add3A_67 = arith.addi %mul3A_66, %get3A_61 : vector<16xi32>
      %lt3A_68 = arith.constant 10000 : i32
      %lt3A_69 = vector.broadcast %lt3A_68 : i32 to vector<16xi32>
      %lt3A_70 = arith.cmpi slt, %add3A_58, %lt3A_69 : vector<16xi32>
      %jit3A_71 = arith.constant 0 : i32
      %broadcast_in_dim3A_72 = vector.broadcast %jit3A_71 : i32 to vector<16xi32>
      %select_n3A_73 = arith.select %lt3A_70, %add3A_67, %broadcast_in_dim3A_72 : vector<16xi1>, vector<16xi32>
      %swap3A_74 = arith.index_cast %scan3A_30 : i32 to index
      %swap3A_75 = arith.constant 16 : index
      %swap3A_76 = tpu.vector_load %arg6[%swap3A_74, %swap3A_75] {strides = array<i32>} : memref<80x128xi32, #tpu.memory_space<vmem>>, vector<1x16xi32>,
      %swap3A_77 = vector.shape_cast %swap3A_76 : vector<1x16xi32> to vector<16xi32>
      %swap3A_78 = vector.shape_cast %select_n3A_73 : vector<16xi32> to vector<1x16xi32>
      tpu.vector_store %arg6[%swap3A_74, %swap3A_75], %swap3A_78 {strides = array<i32>} : memref<80x128xi32, #tpu.memory_space<vmem>>, vector<1x16xi32>,
      %mul3A_79 = arith.constant 128 : i32
      %mul3A_80 = arith.muli %scan3A_30, %mul3A_79 : i32
      %add3A_81 = arith.constant 32 : i32
      %add3A_82 = arith.addi %mul3A_80, %add3A_81 : i32
      %add3A_83 = vector.broadcast %add3A_82 : i32 to vector<16xi32>
      %add3A_84 = arith.addi %add3A_83, %iota3A : vector<16xi32>
      %get3A_85 = arith.index_cast %add3A_82 : i32 to index
      %get3A_86 = tpu.vector_load %arg5[%get3A_85] {strides = array<i32>} : memref<10240xi32, #tpu.memory_space<vmem>>, vector<16xi32>,
      %get3A_87 = vector.shape_cast %get3A_86 : vector<16xi32> to vector<16xi32>
      %add3A_88 = vector.broadcast %mul3A_2 : i32 to vector<16xi32>
      %add3A_89 = arith.addi %add3A_88, %add3A_84 : vector<16xi32>
      %mul3A_90 = arith.constant 128 : i32
      %mul3A_91 = vector.broadcast %mul3A_90 : i32 to vector<16xi32>
      %mul3A_92 = arith.muli %add3A_89, %mul3A_91 : vector<16xi32>
      %add3A_93 = arith.addi %mul3A_92, %get3A_87 : vector<16xi32>
      %lt3A_94 = arith.constant 10000 : i32
      %lt3A_95 = vector.broadcast %lt3A_94 : i32 to vector<16xi32>
      %lt3A_96 = arith.cmpi slt, %add3A_84, %lt3A_95 : vector<16xi32>
      %jit3A_97 = arith.constant 0 : i32
      %broadcast_in_dim3A_98 = vector.broadcast %jit3A_97 : i32 to vector<16xi32>
      %select_n3A_99 = arith.select %lt3A_96, %add3A_93, %broadcast_in_dim3A_98 : vector<16xi1>, vector<16xi32>
      %swap3A_100 = arith.index_cast %scan3A_30 : i32 to index
      %swap3A_101 = arith.constant 32 : index
      %swap3A_102 = tpu.vector_load %arg6[%swap3A_100, %swap3A_101] {strides = array<i32>} : memref<80x128xi32, #tpu.memory_space<vmem>>, vector<1x16xi32>,
      %swap3A_103 = vector.shape_cast %swap3A_102 : vector<1x16xi32> to vector<16xi32>
      %swap3A_104 = vector.shape_cast %select_n3A_99 : vector<16xi32> to vector<1x16xi32>
      tpu.vector_store %arg6[%swap3A_100, %swap3A_101], %swap3A_104 {strides = array<i32>} : memref<80x128xi32, #tpu.memory_space<vmem>>, vector<1x16xi32>,
      %mul3A_105 = arith.constant 128 : i32
      %mul3A_106 = arith.muli %scan3A_30, %mul3A_105 : i32
      %add3A_107 = arith.constant 48 : i32
      %add3A_108 = arith.addi %mul3A_106, %add3A_107 : i32
      %add3A_109 = vector.broadcast %add3A_108 : i32 to vector<16xi32>
      %add3A_110 = arith.addi %add3A_109, %iota3A : vector<16xi32>
      %get3A_111 = arith.index_cast %add3A_108 : i32 to index
      %get3A_112 = tpu.vector_load %arg5[%get3A_111] {strides = array<i32>} : memref<10240xi32, #tpu.memory_space<vmem>>, vector<16xi32>,
      %get3A_113 = vector.shape_cast %get3A_112 : vector<16xi32> to vector<16xi32>
      %add3A_114 = vector.broadcast %mul3A_2 : i32 to vector<16xi32>
      %add3A_115 = arith.addi %add3A_114, %add3A_110 : vector<16xi32>
      %mul3A_116 = arith.constant 128 : i32
      %mul3A_117 = vector.broadcast %mul3A_116 : i32 to vector<16xi32>
      %mul3A_118 = arith.muli %add3A_115, %mul3A_117 : vector<16xi32>
      %add3A_119 = arith.addi %mul3A_118, %get3A_113 : vector<16xi32>
      %lt3A_120 = arith.constant 10000 : i32
      %lt3A_121 = vector.broadcast %lt3A_120 : i32 to vector<16xi32>
      %lt3A_122 = arith.cmpi slt, %add3A_110, %lt3A_121 : vector<16xi32>
      %jit3A_123 = arith.constant 0 : i32
      %broadcast_in_dim3A_124 = vector.broadcast %jit3A_123 : i32 to vector<16xi32>
      %select_n3A_125 = arith.select %lt3A_122, %add3A_119, %broadcast_in_dim3A_124 : vector<16xi1>, vector<16xi32>
      %swap3A_126 = arith.index_cast %scan3A_30 : i32 to index
      %swap3A_127 = arith.constant 48 : index
      %swap3A_128 = tpu.vector_load %arg6[%swap3A_126, %swap3A_127] {strides = array<i32>} : memref<80x128xi32, #tpu.memory_space<vmem>>, vector<1x16xi32>,
      %swap3A_129 = vector.shape_cast %swap3A_128 : vector<1x16xi32> to vector<16xi32>
      %swap3A_130 = vector.shape_cast %select_n3A_125 : vector<16xi32> to vector<1x16xi32>
      tpu.vector_store %arg6[%swap3A_126, %swap3A_127], %swap3A_130 {strides = array<i32>} : memref<80x128xi32, #tpu.memory_space<vmem>>, vector<1x16xi32>,
      %mul3A_131 = arith.constant 128 : i32
      %mul3A_132 = arith.muli %scan3A_30, %mul3A_131 : i32
      %add3A_133 = arith.constant 64 : i32
      %add3A_134 = arith.addi %mul3A_132, %add3A_133 : i32
      %add3A_135 = vector.broadcast %add3A_134 : i32 to vector<16xi32>
      %add3A_136 = arith.addi %add3A_135, %iota3A : vector<16xi32>
      %get3A_137 = arith.index_cast %add3A_134 : i32 to index
      %get3A_138 = tpu.vector_load %arg5[%get3A_137] {strides = array<i32>} : memref<10240xi32, #tpu.memory_space<vmem>>, vector<16xi32>,
      %get3A_139 = vector.shape_cast %get3A_138 : vector<16xi32> to vector<16xi32>
      %add3A_140 = vector.broadcast %mul3A_2 : i32 to vector<16xi32>
      %add3A_141 = arith.addi %add3A_140, %add3A_136 : vector<16xi32>
      %mul3A_142 = arith.constant 128 : i32
      %mul3A_143 = vector.broadcast %mul3A_142 : i32 to vector<16xi32>
      %mul3A_144 = arith.muli %add3A_141, %mul3A_143 : vector<16xi32>
      %add3A_145 = arith.addi %mul3A_144, %get3A_139 : vector<16xi32>
      %lt3A_146 = arith.constant 10000 : i32
      %lt3A_147 = vector.broadcast %lt3A_146 : i32 to vector<16xi32>
      %lt3A_148 = arith.cmpi slt, %add3A_136, %lt3A_147 : vector<16xi32>
      %jit3A_149 = arith.constant 0 : i32
      %broadcast_in_dim3A_150 = vector.broadcast %jit3A_149 : i32 to vector<16xi32>
      %select_n3A_151 = arith.select %lt3A_148, %add3A_145, %broadcast_in_dim3A_150 : vector<16xi1>, vector<16xi32>
      %swap3A_152 = arith.index_cast %scan3A_30 : i32 to index
      %swap3A_153 = arith.constant 64 : index
      %swap3A_154 = tpu.vector_load %arg6[%swap3A_152, %swap3A_153] {strides = array<i32>} : memref<80x128xi32, #tpu.memory_space<vmem>>, vector<1x16xi32>,
      %swap3A_155 = vector.shape_cast %swap3A_154 : vector<1x16xi32> to vector<16xi32>
      %swap3A_156 = vector.shape_cast %select_n3A_151 : vector<16xi32> to vector<1x16xi32>
      tpu.vector_store %arg6[%swap3A_152, %swap3A_153], %swap3A_156 {strides = array<i32>} : memref<80x128xi32, #tpu.memory_space<vmem>>, vector<1x16xi32>,
      %mul3A_157 = arith.constant 128 : i32
      %mul3A_158 = arith.muli %scan3A_30, %mul3A_157 : i32
      %add3A_159 = arith.constant 80 : i32
      %add3A_160 = arith.addi %mul3A_158, %add3A_159 : i32
      %add3A_161 = vector.broadcast %add3A_160 : i32 to vector<16xi32>
      %add3A_162 = arith.addi %add3A_161, %iota3A : vector<16xi32>
      %get3A_163 = arith.index_cast %add3A_160 : i32 to index
      %get3A_164 = tpu.vector_load %arg5[%get3A_163] {strides = array<i32>} : memref<10240xi32, #tpu.memory_space<vmem>>, vector<16xi32>,
      %get3A_165 = vector.shape_cast %get3A_164 : vector<16xi32> to vector<16xi32>
      %add3A_166 = vector.broadcast %mul3A_2 : i32 to vector<16xi32>
      %add3A_167 = arith.addi %add3A_166, %add3A_162 : vector<16xi32>
      %mul3A_168 = arith.constant 128 : i32
      %mul3A_169 = vector.broadcast %mul3A_168 : i32 to vector<16xi32>
      %mul3A_170 = arith.muli %add3A_167, %mul3A_169 : vector<16xi32>
      %add3A_171 = arith.addi %mul3A_170, %get3A_165 : vector<16xi32>
      %lt3A_172 = arith.constant 10000 : i32
      %lt3A_173 = vector.broadcast %lt3A_172 : i32 to vector<16xi32>
      %lt3A_174 = arith.cmpi slt, %add3A_162, %lt3A_173 : vector<16xi32>
      %jit3A_175 = arith.constant 0 : i32
      %broadcast_in_dim3A_176 = vector.broadcast %jit3A_175 : i32 to vector<16xi32>
      %select_n3A_177 = arith.select %lt3A_174, %add3A_171, %broadcast_in_dim3A_176 : vector<16xi1>, vector<16xi32>
      %swap3A_178 = arith.index_cast %scan3A_30 : i32 to index
      %swap3A_179 = arith.constant 80 : index
      %swap3A_180 = tpu.vector_load %arg6[%swap3A_178, %swap3A_179] {strides = array<i32>} : memref<80x128xi32, #tpu.memory_space<vmem>>, vector<1x16xi32>,
      %swap3A_181 = vector.shape_cast %swap3A_180 : vector<1x16xi32> to vector<16xi32>
      %swap3A_182 = vector.shape_cast %select_n3A_177 : vector<16xi32> to vector<1x16xi32>
      tpu.vector_store %arg6[%swap3A_178, %swap3A_179], %swap3A_182 {strides = array<i32>} : memref<80x128xi32, #tpu.memory_space<vmem>>, vector<1x16xi32>,
      %mul3A_183 = arith.constant 128 : i32
      %mul3A_184 = arith.muli %scan3A_30, %mul3A_183 : i32
      %add3A_185 = arith.constant 96 : i32
      %add3A_186 = arith.addi %mul3A_184, %add3A_185 : i32
      %add3A_187 = vector.broadcast %add3A_186 : i32 to vector<16xi32>
      %add3A_188 = arith.addi %add3A_187, %iota3A : vector<16xi32>
      %get3A_189 = arith.index_cast %add3A_186 : i32 to index
      %get3A_190 = tpu.vector_load %arg5[%get3A_189] {strides = array<i32>} : memref<10240xi32, #tpu.memory_space<vmem>>, vector<16xi32>,
      %get3A_191 = vector.shape_cast %get3A_190 : vector<16xi32> to vector<16xi32>
      %add3A_192 = vector.broadcast %mul3A_2 : i32 to vector<16xi32>
      %add3A_193 = arith.addi %add3A_192, %add3A_188 : vector<16xi32>
      %mul3A_194 = arith.constant 128 : i32
      %mul3A_195 = vector.broadcast %mul3A_194 : i32 to vector<16xi32>
      %mul3A_196 = arith.muli %add3A_193, %mul3A_195 : vector<16xi32>
      %add3A_197 = arith.addi %mul3A_196, %get3A_191 : vector<16xi32>
      %lt3A_198 = arith.constant 10000 : i32
      %lt3A_199 = vector.broadcast %lt3A_198 : i32 to vector<16xi32>
      %lt3A_200 = arith.cmpi slt, %add3A_188, %lt3A_199 : vector<16xi32>
      %jit3A_201 = arith.constant 0 : i32
      %broadcast_in_dim3A_202 = vector.broadcast %jit3A_201 : i32 to vector<16xi32>
      %select_n3A_203 = arith.select %lt3A_200, %add3A_197, %broadcast_in_dim3A_202 : vector<16xi1>, vector<16xi32>
      %swap3A_204 = arith.index_cast %scan3A_30 : i32 to index
      %swap3A_205 = arith.constant 96 : index
      %swap3A_206 = tpu.vector_load %arg6[%swap3A_204, %swap3A_205] {strides = array<i32>} : memref<80x128xi32, #tpu.memory_space<vmem>>, vector<1x16xi32>,
      %swap3A_207 = vector.shape_cast %swap3A_206 : vector<1x16xi32> to vector<16xi32>
      %swap3A_208 = vector.shape_cast %select_n3A_203 : vector<16xi32> to vector<1x16xi32>
      tpu.vector_store %arg6[%swap3A_204, %swap3A_205], %swap3A_208 {strides = array<i32>} : memref<80x128xi32, #tpu.memory_space<vmem>>, vector<1x16xi32>,
      %mul3A_209 = arith.constant 128 : i32
      %mul3A_210 = arith.muli %scan3A_30, %mul3A_209 : i32
      %add3A_211 = arith.constant 112 : i32
      %add3A_212 = arith.addi %mul3A_210, %add3A_211 : i32
      %add3A_213 = vector.broadcast %add3A_212 : i32 to vector<16xi32>
      %add3A_214 = arith.addi %add3A_213, %iota3A : vector<16xi32>
      %get3A_215 = arith.index_cast %add3A_212 : i32 to index
      %get3A_216 = tpu.vector_load %arg5[%get3A_215] {strides = array<i32>} : memref<10240xi32, #tpu.memory_space<vmem>>, vector<16xi32>,
      %get3A_217 = vector.shape_cast %get3A_216 : vector<16xi32> to vector<16xi32>
      %add3A_218 = vector.broadcast %mul3A_2 : i32 to vector<16xi32>
      %add3A_219 = arith.addi %add3A_218, %add3A_214 : vector<16xi32>
      %mul3A_220 = arith.constant 128 : i32
      %mul3A_221 = vector.broadcast %mul3A_220 : i32 to vector<16xi32>
      %mul3A_222 = arith.muli %add3A_219, %mul3A_221 : vector<16xi32>
      %add3A_223 = arith.addi %mul3A_222, %get3A_217 : vector<16xi32>
      %lt3A_224 = arith.constant 10000 : i32
      %lt3A_225 = vector.broadcast %lt3A_224 : i32 to vector<16xi32>
      %lt3A_226 = arith.cmpi slt, %add3A_214, %lt3A_225 : vector<16xi32>
      %jit3A_227 = arith.constant 0 : i32
      %broadcast_in_dim3A_228 = vector.broadcast %jit3A_227 : i32 to vector<16xi32>
      %select_n3A_229 = arith.select %lt3A_226, %add3A_223, %broadcast_in_dim3A_228 : vector<16xi1>, vector<16xi32>
      %swap3A_230 = arith.index_cast %scan3A_30 : i32 to index
      %swap3A_231 = arith.constant 112 : index
      %swap3A_232 = tpu.vector_load %arg6[%swap3A_230, %swap3A_231] {strides = array<i32>} : memref<80x128xi32, #tpu.memory_space<vmem>>, vector<1x16xi32>,
      %swap3A_233 = vector.shape_cast %swap3A_232 : vector<1x16xi32> to vector<16xi32>
      %swap3A_234 = vector.shape_cast %select_n3A_229 : vector<16xi32> to vector<1x16xi32>
      tpu.vector_store %arg6[%swap3A_230, %swap3A_231], %swap3A_234 {strides = array<i32>} : memref<80x128xi32, #tpu.memory_space<vmem>>, vector<1x16xi32>,
    }
    %scan3A_7 = arith.constant 80 : i32
    %scan3A_8 = arith.constant 0 : i32
    %scan3A_9 = arith.constant 0 : i32
    %scan3A_10 = arith.constant 80 : i32
    %scan3A_11 = arith.addi %scan3A_9, %scan3A_10 : i32
    %scan3A_12 = arith.constant 1 : i32
    scf.for %scan3A_30 = %scan3A_9 to %scan3A_11 step %scan3A_12  : i32 {
      %dma_start3A = arith.constant 0 : i32
      %dma_start3A_31 = tpu.memref_slice %arg7[%scan3A_30, %dma_start3A] : memref<80x128xf32, #tpu.memory_space<vmem>> -> memref<1x128xf32, #tpu.memory_space<vmem>>
      %dma_start3A_32 = tpu.memref_squeeze %dma_start3A_31 : memref<1x128xf32, #tpu.memory_space<vmem>> -> memref<128xf32, #tpu.memory_space<vmem>>
      %dma_start3A_33 = arith.constant 0 : i32
      %dma_start3A_34 = tpu.memref_slice %arg6[%scan3A_30, %dma_start3A_33] : memref<80x128xi32, #tpu.memory_space<vmem>> -> memref<1x128xi32, #tpu.memory_space<vmem>>
      %dma_start3A_35 = tpu.memref_squeeze %dma_start3A_34 : memref<1x128xi32, #tpu.memory_space<vmem>> -> memref<128xi32, #tpu.memory_space<vmem>>
      %dma_start3A_36 = arith.constant 0 : i32
      %dma_start3A_37 = tpu.memref_slice %arg2[%dma_start3A_36] : memref<40960000xf32, #tpu.memory_space<hbm>> -> memref<40960000xf32, #tpu.memory_space<hbm>>
      tpu.enqueue_indirect_dma source(%dma_start3A_37 : memref<40960000xf32, #tpu.memory_space<hbm>>) target(%dma_start3A_32 : memref<128xf32, #tpu.memory_space<vmem>>) offsets(%dma_start3A_35 : memref<128xi32, #tpu.memory_space<vmem>>) semaphore(%arg9 : memref<!tpu.dma_semaphore, #tpu.memory_space<semaphore_mem>>)
    }
    %scan3A_13 = arith.constant 80 : i32
    %scan3A_14 = arith.constant 0 : i32
    %scan3A_15 = arith.constant 0 : i32
    %scan3A_16 = arith.constant 80 : i32
    %scan3A_17 = arith.addi %scan3A_15, %scan3A_16 : i32
    %scan3A_18 = arith.constant 1 : i32
    scf.for %scan3A_30 = %scan3A_15 to %scan3A_17 step %scan3A_18  : i32 {
      %dma_wait3A = arith.constant 0 : i32
      %dma_wait3A_31 = arith.constant 0 : i32
      %dma_wait3A_32 = arith.constant 0 : i32
      %dma_wait3A_33 = tpu.memref_slice %arg7[%dma_wait3A_31, %dma_wait3A_32] : memref<80x128xf32, #tpu.memory_space<vmem>> -> memref<1x128xf32, #tpu.memory_space<vmem>>
      %dma_wait3A_34 = tpu.memref_squeeze %dma_wait3A_33 : memref<1x128xf32, #tpu.memory_space<vmem>> -> memref<128xf32, #tpu.memory_space<vmem>>
      %dma_wait3A_35 = arith.constant 0 : i32
      %dma_wait3A_36 = tpu.memref_slice %arg6[%dma_wait3A, %dma_wait3A_35] : memref<80x128xi32, #tpu.memory_space<vmem>> -> memref<1x128xi32, #tpu.memory_space<vmem>>
      %dma_wait3A_37 = tpu.memref_squeeze %dma_wait3A_36 : memref<1x128xi32, #tpu.memory_space<vmem>> -> memref<128xi32, #tpu.memory_space<vmem>>
      %dma_wait3A_38 = arith.constant 0 : i32
      %dma_wait3A_39 = tpu.memref_slice %arg2[%dma_wait3A_38] : memref<40960000xf32, #tpu.memory_space<hbm>> -> memref<40960000xf32, #tpu.memory_space<hbm>>
      tpu.wait_indirect_dma semaphore(%arg9 : memref<!tpu.dma_semaphore, #tpu.memory_space<semaphore_mem>>) src(%dma_wait3A_39 : memref<40960000xf32, #tpu.memory_space<hbm>>) dst(%dma_wait3A_34 : memref<128xf32, #tpu.memory_space<vmem>>)
    }
    %scan3A_19 = arith.constant 80 : i32
    %broadcast_in_dim3A = arith.constant 0.000000e+00 : f32
    %broadcast_in_dim3A_20 = vector.broadcast %broadcast_in_dim3A : f32 to vector<16xf32>
    %scan3A_21 = arith.constant 0 : i32
    %scan3A_22 = arith.constant 80 : i32
    %scan3A_23 = arith.addi %scan3A_21, %scan3A_22 : i32
    %scan3A_24 = arith.constant 1 : i32
    %scan3A_25 = scf.for %scan3A_30 = %scan3A_21 to %scan3A_23 step %scan3A_24 iter_args(%scan3A_31 = %broadcast_in_dim3A_20) -> (vector<16xf32>)  : i32 {
      %mul3A_32 = arith.constant 128 : i32
      %mul3A_33 = arith.muli %scan3A_30, %mul3A_32 : i32
      %add3A_34 = arith.constant 0 : i32
      %add3A_35 = arith.addi %mul3A_33, %add3A_34 : i32
      %get3A = arith.index_cast %scan3A_30 : i32 to index
      %get3A_36 = arith.constant 0 : index
      %get3A_37 = tpu.vector_load %arg7[%get3A, %get3A_36] {strides = array<i32>} : memref<80x128xf32, #tpu.memory_space<vmem>>, vector<1x16xf32>,
      %get3A_38 = vector.shape_cast %get3A_37 : vector<1x16xf32> to vector<16xf32>
      %add3A_39 = vector.broadcast %add3A_35 : i32 to vector<16xi32>
      %add3A_40 = arith.addi %add3A_39, %iota3A : vector<16xi32>
      %lt3A = arith.constant 10000 : i32
      %lt3A_41 = vector.broadcast %lt3A : i32 to vector<16xi32>
      %lt3A_42 = arith.cmpi slt, %add3A_40, %lt3A_41 : vector<16xi32>
      %jit3A = arith.constant 0.000000e+00 : f32
      %broadcast_in_dim3A_43 = vector.broadcast %jit3A : f32 to vector<16xf32>
      %select_n3A = arith.select %lt3A_42, %get3A_38, %broadcast_in_dim3A_43 : vector<16xi1>, vector<16xf32>
      %add3A_44 = arith.addf %scan3A_31, %select_n3A : vector<16xf32>
      %mul3A_45 = arith.constant 128 : i32
      %mul3A_46 = arith.muli %scan3A_30, %mul3A_45 : i32
      %add3A_47 = arith.constant 16 : i32
      %add3A_48 = arith.addi %mul3A_46, %add3A_47 : i32
      %get3A_49 = arith.index_cast %scan3A_30 : i32 to index
      %get3A_50 = arith.constant 16 : index
      %get3A_51 = tpu.vector_load %arg7[%get3A_49, %get3A_50] {strides = array<i32>} : memref<80x128xf32, #tpu.memory_space<vmem>>, vector<1x16xf32>,
      %get3A_52 = vector.shape_cast %get3A_51 : vector<1x16xf32> to vector<16xf32>
      %add3A_53 = vector.broadcast %add3A_48 : i32 to vector<16xi32>
      %add3A_54 = arith.addi %add3A_53, %iota3A : vector<16xi32>
      %lt3A_55 = arith.constant 10000 : i32
      %lt3A_56 = vector.broadcast %lt3A_55 : i32 to vector<16xi32>
      %lt3A_57 = arith.cmpi slt, %add3A_54, %lt3A_56 : vector<16xi32>
      %jit3A_58 = arith.constant 0.000000e+00 : f32
      %broadcast_in_dim3A_59 = vector.broadcast %jit3A_58 : f32 to vector<16xf32>
      %select_n3A_60 = arith.select %lt3A_57, %get3A_52, %broadcast_in_dim3A_59 : vector<16xi1>, vector<16xf32>
      %add3A_61 = arith.addf %add3A_44, %select_n3A_60 : vector<16xf32>
      %mul3A_62 = arith.constant 128 : i32
      %mul3A_63 = arith.muli %scan3A_30, %mul3A_62 : i32
      %add3A_64 = arith.constant 32 : i32
      %add3A_65 = arith.addi %mul3A_63, %add3A_64 : i32
      %get3A_66 = arith.index_cast %scan3A_30 : i32 to index
      %get3A_67 = arith.constant 32 : index
      %get3A_68 = tpu.vector_load %arg7[%get3A_66, %get3A_67] {strides = array<i32>} : memref<80x128xf32, #tpu.memory_space<vmem>>, vector<1x16xf32>,
      %get3A_69 = vector.shape_cast %get3A_68 : vector<1x16xf32> to vector<16xf32>
      %add3A_70 = vector.broadcast %add3A_65 : i32 to vector<16xi32>
      %add3A_71 = arith.addi %add3A_70, %iota3A : vector<16xi32>
      %lt3A_72 = arith.constant 10000 : i32
      %lt3A_73 = vector.broadcast %lt3A_72 : i32 to vector<16xi32>
      %lt3A_74 = arith.cmpi slt, %add3A_71, %lt3A_73 : vector<16xi32>
      %jit3A_75 = arith.constant 0.000000e+00 : f32
      %broadcast_in_dim3A_76 = vector.broadcast %jit3A_75 : f32 to vector<16xf32>
      %select_n3A_77 = arith.select %lt3A_74, %get3A_69, %broadcast_in_dim3A_76 : vector<16xi1>, vector<16xf32>
      %add3A_78 = arith.addf %add3A_61, %select_n3A_77 : vector<16xf32>
      %mul3A_79 = arith.constant 128 : i32
      %mul3A_80 = arith.muli %scan3A_30, %mul3A_79 : i32
      %add3A_81 = arith.constant 48 : i32
      %add3A_82 = arith.addi %mul3A_80, %add3A_81 : i32
      %get3A_83 = arith.index_cast %scan3A_30 : i32 to index
      %get3A_84 = arith.constant 48 : index
      %get3A_85 = tpu.vector_load %arg7[%get3A_83, %get3A_84] {strides = array<i32>} : memref<80x128xf32, #tpu.memory_space<vmem>>, vector<1x16xf32>,
      %get3A_86 = vector.shape_cast %get3A_85 : vector<1x16xf32> to vector<16xf32>
      %add3A_87 = vector.broadcast %add3A_82 : i32 to vector<16xi32>
      %add3A_88 = arith.addi %add3A_87, %iota3A : vector<16xi32>
      %lt3A_89 = arith.constant 10000 : i32
      %lt3A_90 = vector.broadcast %lt3A_89 : i32 to vector<16xi32>
      %lt3A_91 = arith.cmpi slt, %add3A_88, %lt3A_90 : vector<16xi32>
      %jit3A_92 = arith.constant 0.000000e+00 : f32
      %broadcast_in_dim3A_93 = vector.broadcast %jit3A_92 : f32 to vector<16xf32>
      %select_n3A_94 = arith.select %lt3A_91, %get3A_86, %broadcast_in_dim3A_93 : vector<16xi1>, vector<16xf32>
      %add3A_95 = arith.addf %add3A_78, %select_n3A_94 : vector<16xf32>
      %mul3A_96 = arith.constant 128 : i32
      %mul3A_97 = arith.muli %scan3A_30, %mul3A_96 : i32
      %add3A_98 = arith.constant 64 : i32
      %add3A_99 = arith.addi %mul3A_97, %add3A_98 : i32
      %get3A_100 = arith.index_cast %scan3A_30 : i32 to index
      %get3A_101 = arith.constant 64 : index
      %get3A_102 = tpu.vector_load %arg7[%get3A_100, %get3A_101] {strides = array<i32>} : memref<80x128xf32, #tpu.memory_space<vmem>>, vector<1x16xf32>,
      %get3A_103 = vector.shape_cast %get3A_102 : vector<1x16xf32> to vector<16xf32>
      %add3A_104 = vector.broadcast %add3A_99 : i32 to vector<16xi32>
      %add3A_105 = arith.addi %add3A_104, %iota3A : vector<16xi32>
      %lt3A_106 = arith.constant 10000 : i32
      %lt3A_107 = vector.broadcast %lt3A_106 : i32 to vector<16xi32>
      %lt3A_108 = arith.cmpi slt, %add3A_105, %lt3A_107 : vector<16xi32>
      %jit3A_109 = arith.constant 0.000000e+00 : f32
      %broadcast_in_dim3A_110 = vector.broadcast %jit3A_109 : f32 to vector<16xf32>
      %select_n3A_111 = arith.select %lt3A_108, %get3A_103, %broadcast_in_dim3A_110 : vector<16xi1>, vector<16xf32>
      %add3A_112 = arith.addf %add3A_95, %select_n3A_111 : vector<16xf32>
      %mul3A_113 = arith.constant 128 : i32
      %mul3A_114 = arith.muli %scan3A_30, %mul3A_113 : i32
      %add3A_115 = arith.constant 80 : i32
      %add3A_116 = arith.addi %mul3A_114, %add3A_115 : i32
      %get3A_117 = arith.index_cast %scan3A_30 : i32 to index
      %get3A_118 = arith.constant 80 : index
      %get3A_119 = tpu.vector_load %arg7[%get3A_117, %get3A_118] {strides = array<i32>} : memref<80x128xf32, #tpu.memory_space<vmem>>, vector<1x16xf32>,
      %get3A_120 = vector.shape_cast %get3A_119 : vector<1x16xf32> to vector<16xf32>
      %add3A_121 = vector.broadcast %add3A_116 : i32 to vector<16xi32>
      %add3A_122 = arith.addi %add3A_121, %iota3A : vector<16xi32>
      %lt3A_123 = arith.constant 10000 : i32
      %lt3A_124 = vector.broadcast %lt3A_123 : i32 to vector<16xi32>
      %lt3A_125 = arith.cmpi slt, %add3A_122, %lt3A_124 : vector<16xi32>
      %jit3A_126 = arith.constant 0.000000e+00 : f32
      %broadcast_in_dim3A_127 = vector.broadcast %jit3A_126 : f32 to vector<16xf32>
      %select_n3A_128 = arith.select %lt3A_125, %get3A_120, %broadcast_in_dim3A_127 : vector<16xi1>, vector<16xf32>
      %add3A_129 = arith.addf %add3A_112, %select_n3A_128 : vector<16xf32>
      %mul3A_130 = arith.constant 128 : i32
      %mul3A_131 = arith.muli %scan3A_30, %mul3A_130 : i32
      %add3A_132 = arith.constant 96 : i32
      %add3A_133 = arith.addi %mul3A_131, %add3A_132 : i32
      %get3A_134 = arith.index_cast %scan3A_30 : i32 to index
      %get3A_135 = arith.constant 96 : index
      %get3A_136 = tpu.vector_load %arg7[%get3A_134, %get3A_135] {strides = array<i32>} : memref<80x128xf32, #tpu.memory_space<vmem>>, vector<1x16xf32>,
      %get3A_137 = vector.shape_cast %get3A_136 : vector<1x16xf32> to vector<16xf32>
      %add3A_138 = vector.broadcast %add3A_133 : i32 to vector<16xi32>
      %add3A_139 = arith.addi %add3A_138, %iota3A : vector<16xi32>
      %lt3A_140 = arith.constant 10000 : i32
      %lt3A_141 = vector.broadcast %lt3A_140 : i32 to vector<16xi32>
      %lt3A_142 = arith.cmpi slt, %add3A_139, %lt3A_141 : vector<16xi32>
      %jit3A_143 = arith.constant 0.000000e+00 : f32
      %broadcast_in_dim3A_144 = vector.broadcast %jit3A_143 : f32 to vector<16xf32>
      %select_n3A_145 = arith.select %lt3A_142, %get3A_137, %broadcast_in_dim3A_144 : vector<16xi1>, vector<16xf32>
      %add3A_146 = arith.addf %add3A_129, %select_n3A_145 : vector<16xf32>
      %mul3A_147 = arith.constant 128 : i32
      %mul3A_148 = arith.muli %scan3A_30, %mul3A_147 : i32
      %add3A_149 = arith.constant 112 : i32
      %add3A_150 = arith.addi %mul3A_148, %add3A_149 : i32
      %get3A_151 = arith.index_cast %scan3A_30 : i32 to index
      %get3A_152 = arith.constant 112 : index
      %get3A_153 = tpu.vector_load %arg7[%get3A_151, %get3A_152] {strides = array<i32>} : memref<80x128xf32, #tpu.memory_space<vmem>>, vector<1x16xf32>,
      %get3A_154 = vector.shape_cast %get3A_153 : vector<1x16xf32> to vector<16xf32>
      %add3A_155 = vector.broadcast %add3A_150 : i32 to vector<16xi32>
      %add3A_156 = arith.addi %add3A_155, %iota3A : vector<16xi32>
      %lt3A_157 = arith.constant 10000 : i32
      %lt3A_158 = vector.broadcast %lt3A_157 : i32 to vector<16xi32>
      %lt3A_159 = arith.cmpi slt, %add3A_156, %lt3A_158 : vector<16xi32>
      %jit3A_160 = arith.constant 0.000000e+00 : f32
      %broadcast_in_dim3A_161 = vector.broadcast %jit3A_160 : f32 to vector<16xf32>
      %select_n3A_162 = arith.select %lt3A_159, %get3A_154, %broadcast_in_dim3A_161 : vector<16xi1>, vector<16xf32>
      %add3A_163 = arith.addf %add3A_146, %select_n3A_162 : vector<16xf32>
      scf.yield %add3A_163 : vector<16xf32>
    }
    %scan3A_26 = arith.constant 80 : i32
    %swap3A = arith.constant 0 : index
    %swap3A_27 = tpu.vector_load %arg8[%swap3A] {strides = array<i32>} : memref<16xf32, #tpu.memory_space<vmem>>, vector<16xf32>,
    %swap3A_28 = vector.shape_cast %swap3A_27 : vector<16xf32> to vector<16xf32>
    %swap3A_29 = vector.shape_cast %scan3A_25 : vector<16xf32> to vector<16xf32>
    tpu.vector_store %arg8[%swap3A], %swap3A_29 {strides = array<i32>} : memref<16xf32, #tpu.memory_space<vmem>>, vector<16xf32>,
    "tpu.region"() ({
      %run_scoped3A = tpu.sem_alloc : memref<!tpu.dma_semaphore, #tpu.memory_space<semaphore_mem>>
      %dma_start3A = arith.constant 0 : i32
      %dma_start3A_30 = tpu.memref_slice %arg4[%add3A, %dma_start3A] : memref<32x16xf32, #tpu.memory_space<hbm>> -> memref<1x16xf32, #tpu.memory_space<hbm>>
      %dma_start3A_31 = tpu.memref_squeeze %dma_start3A_30 : memref<1x16xf32, #tpu.memory_space<hbm>> -> memref<16xf32, #tpu.memory_space<hbm>>
      %dma_start3A_32 = arith.constant 0 : i32
      %dma_start3A_33 = tpu.memref_slice %arg4[%add3A, %dma_start3A_32] : memref<32x16xf32, #tpu.memory_space<hbm>> -> memref<1x16xf32, #tpu.memory_space<hbm>>
      %dma_start3A_34 = tpu.memref_squeeze %dma_start3A_33 : memref<1x16xf32, #tpu.memory_space<hbm>> -> memref<16xf32, #tpu.memory_space<hbm>>
      tpu.enqueue_dma source(%arg8 : memref<16xf32, #tpu.memory_space<vmem>>) target(%dma_start3A_34 : memref<16xf32, #tpu.memory_space<hbm>>) target_semaphore(%run_scoped3A : memref<!tpu.dma_semaphore, #tpu.memory_space<semaphore_mem>>)
      %dma_wait3A = arith.constant 0 : i32
      %dma_wait3A_35 = tpu.memref_slice %arg4[%add3A, %dma_wait3A] : memref<32x16xf32, #tpu.memory_space<hbm>> -> memref<1x16xf32, #tpu.memory_space<hbm>>
      %dma_wait3A_36 = tpu.memref_squeeze %dma_wait3A_35 : memref<1x16xf32, #tpu.memory_space<hbm>> -> memref<16xf32, #tpu.memory_space<hbm>>
      %dma_wait3A_37 = arith.constant 0 : i32
      %dma_wait3A_38 = tpu.memref_slice %arg4[%add3A, %dma_wait3A_37] : memref<32x16xf32, #tpu.memory_space<hbm>> -> memref<1x16xf32, #tpu.memory_space<hbm>>
      %dma_wait3A_39 = tpu.memref_squeeze %dma_wait3A_38 : memref<1x16xf32, #tpu.memory_space<hbm>> -> memref<16xf32, #tpu.memory_space<hbm>>
      tpu.wait_dma2 semaphore(%run_scoped3A : memref<!tpu.dma_semaphore, #tpu.memory_space<semaphore_mem>>) src(%arg8 : memref<16xf32, #tpu.memory_space<vmem>>) dst(%dma_wait3A_39 : memref<16xf32, #tpu.memory_space<hbm>>)
      tpu.yield
    }) : () -> ()
    return
  }
}

module attributes {stable_mosaic.version = 14 : i64} {
  func.func @_dense_body(%arg0: i32, %arg1: memref<32000x128xf32, #tpu.memory_space<vmem>>, %arg2: memref<1x1xf32, #tpu.memory_space<smem>>) attributes {dimension_semantics = [#tpu.dimension_semantics<arbitrary>], iteration_bounds = array<i64: 10>, scalar_prefetch = 0 : i64, scratch_operands = 0 : i64, tpu.core_type = #tpu.core_type<tc>, window_params = [{transform_indices = @transform_0, window_bounds = array<i64: 32000, 128>}, {transform_indices = @transform_1, window_bounds = array<i64: 1, 1>}]} {
    %get3A = arith.constant 0 : index
    %get3A_0 = arith.constant 0 : index
    %get3A_1 = vector.load %arg1[%get3A, %get3A_0] : memref<32000x128xf32, #tpu.memory_space<vmem>>, vector<32000x128xf32>
    %jit3A = arith.constant -8.000000e+01 : f32
    %jit3A_2 = arith.constant 8.000000e+01 : f32
    %max3A = vector.broadcast %jit3A : f32 to vector<32000x128xf32>
    %max3A_3 = arith.maximumf %max3A, %get3A_1 : vector<32000x128xf32>
    %min3A = vector.broadcast %jit3A_2 : f32 to vector<32000x128xf32>
    %min3A_4 = arith.minimumf %min3A, %max3A_3 : vector<32000x128xf32>
    %exp3A = math.exp %min3A_4 : vector<32000x128xf32>
    %reduce_sum3A = arith.constant dense<0.000000e+00> : vector<32000xf32>
    %reduce_sum3A_5 = vector.multi_reduction <add>, %exp3A, %reduce_sum3A [1] : vector<32000x128xf32> to vector<32000xf32>
    %broadcast_in_dim3A = vector.shape_cast %reduce_sum3A_5 : vector<32000xf32> to vector<32000x1xf32>
    %log3A = math.log %broadcast_in_dim3A : vector<32000x1xf32>
    %reduce_sum3A_6 = vector.shape_cast %log3A : vector<32000x1xf32> to vector<1x32000x1xf32>
    %reduce_sum3A_7 = arith.constant dense<0.000000e+00> : vector<1xf32>
    %reduce_sum3A_8 = vector.multi_reduction <add>, %reduce_sum3A_6, %reduce_sum3A_7 [1, 2] : vector<1x32000x1xf32> to vector<1xf32>
    %reduce_sum3A_9 = vector.shape_cast %reduce_sum3A_8 : vector<1xf32> to vector<1x1x1xf32>
    %reduce_sum3A_10 = vector.extract %reduce_sum3A_9[0, 0, 0] : f32 from vector<1x1x1xf32>
    %reduce_sum3A_11 = vector.shape_cast %get3A_1 : vector<32000x128xf32> to vector<1x32000x128xf32>
    %reduce_sum3A_12 = arith.constant dense<0.000000e+00> : vector<1xf32>
    %reduce_sum3A_13 = vector.multi_reduction <add>, %reduce_sum3A_11, %reduce_sum3A_12 [1, 2] : vector<1x32000x128xf32> to vector<1xf32>
    %reduce_sum3A_14 = vector.shape_cast %reduce_sum3A_13 : vector<1xf32> to vector<1x1x1xf32>
    %reduce_sum3A_15 = vector.extract %reduce_sum3A_14[0, 0, 0] : f32 from vector<1x1x1xf32>
    %mul3A = arith.constant 7.87401571E-4 : f32
    %mul3A_16 = arith.mulf %mul3A, %reduce_sum3A_15 : f32
    %sub3A = arith.subf %reduce_sum3A_10, %mul3A_16 : f32
    %eq3A = arith.constant 0 : i32
    %eq3A_17 = arith.cmpi eq, %arg0, %eq3A : i32
    %convert_element_type3A = arith.extui %eq3A_17 : i1 to i32
    %cond3A = arith.constant 0 : i32
    %cond3A_18 = arith.cmpi ne, %convert_element_type3A, %cond3A : i32
    scf.if %cond3A_18 {
      %swap3A_24 = arith.constant 0.000000e+00 : f32
      %swap3A_25 = arith.constant 0 : index
      %swap3A_26 = arith.constant 0 : index
      %swap3A_27 = memref.load %arg2[%swap3A_25, %swap3A_26] : memref<1x1xf32, #tpu.memory_space<smem>>
      memref.store %swap3A_24, %arg2[%swap3A_25, %swap3A_26] : memref<1x1xf32, #tpu.memory_space<smem>>
    } else {
    }
    %get3A_19 = arith.constant 0 : index
    %get3A_20 = arith.constant 0 : index
    %get3A_21 = memref.load %arg2[%get3A_19, %get3A_20] : memref<1x1xf32, #tpu.memory_space<smem>>
    %add3A = arith.addf %get3A_21, %sub3A : f32
    %swap3A = arith.constant 0 : index
    %swap3A_22 = arith.constant 0 : index
    %swap3A_23 = memref.load %arg2[%swap3A, %swap3A_22] : memref<1x1xf32, #tpu.memory_space<smem>>
    memref.store %add3A, %arg2[%swap3A, %swap3A_22] : memref<1x1xf32, #tpu.memory_space<smem>>
    return
  }
  func.func @transform_0(%arg0: i32) -> (i32, i32) {
    %c0_i32 = arith.constant 0 : i32
    %c0_i32_0 = arith.constant 0 : i32
    return %arg0, %c0_i32 : i32, i32
  }
  func.func @transform_1(%arg0: i32) -> (i32, i32) {
    %c0_i32 = arith.constant 0 : i32
    %c0_i32_0 = arith.constant 0 : i32
    %c0_i32_1 = arith.constant 0 : i32
    return %c0_i32, %c0_i32_0 : i32, i32
  }
}

</mosaic_0001>

<sc_bundles>
// kernel: kernel.4.cloned.1.call-start
scs
__scs_entry_jumppad:
0x0: {  	(pc) =	sbr.rel $0x88, $3  }
0x1: {  	(tag) =	ssettag $0x0;
	lr =	simm.s32 $0x1  }
0x2: {  	[smem:$0x3F9F] =	sst lr;
	_ =	strace $0xD0000000  }
0x3: {  	_ = 	snop  }
0x4: {  	_ = 	snop  }
0x5: {  	_ = 	snop  }
0x6: {  	_ = 	snop  }
0x7: {  	_ = 	snop  }
__scs_overlays_trampoline_lowered:
0x8: {  	[smem:$0x3FAE] =	sst s0  }
0x9: {  	[smem:$0x3FAF] =	sst s1  }
0xa: {  	[smem:$0x3FB0] =	sst s2  }
0xb: {  	[smem:$0x3FB1] =	sst s3  }
0xc: {  	[smem:$0x3FB2] =	sst s4  }
0xd: {  	[smem:$0x3FB3] =	sst s5  }
0xe: {  	[smem:$0x3FB4] =	sst s6  }
0xf: {  	[smem:$0x3FB5] =	sst s7  }
0x10: {  	[smem:$0x3FB6] =	sst s8  }
0x11: {  	[smem:$0x3FB7] =	sst s9;
	s0 =	simm.s32 @!p0 $0x0  }
0x12: {  	s1 =	sld [smem:$0x3F9D];
	s0 =	simm.s32 @p0 $0x1  }
0x13: {  	[smem:$0x3FB8] =	sst s0;
	s0 =	simm.s32 @!p1 $0x0  }
0x14: {  	s2 =	sld [smem:$0x3F9C];
	s0 =	simm.s32 @p1 $0x1  }
0x15: {  	[smem:$0x3FB9] =	sst s0;
	s0 =	simm.s32 @!p2 $0x0  }
0x16: {  	s3 =	sld [smem:$0x3FDB];
	s0 =	simm.s32 @p2 $0x1  }
0x17: {  	s4 =	simm.s32 $0x1BF5;
	[smem:$0x3FBB] =	sst s0  }
0x18: {  	s0 =	sld [smem:$0x3F9E];
	_ =	swait.ge [sflag:s4], $0x0  }
0x19: {  	s7 =	sld [smem:$0x3F9F]  }
0x1a: {  	s8 =	sadd.s32 $0xFFFFE003, lr  }
0x1b: {  	s9 =	sadd.s32 $0xFFFFFEF7, lr;
	s5 =	simm.s32 $0xFFFFFFFF;
	p2 =	slt.u32 s8, $0xFFFFF086  }
0x1c: {  	p1 =	slt.u32 s9, $0xF7A;
	s5 =	simm.s32 @!p2 $0x0  }
0x1d: {  	s5 =	simm.s32 @p1 $0x1;
	p0 =	seq.s32 s7, s2  }
0x1e: {  	s7 =	smul.u32 @!p0 $0xF7A, s2;
	p2 =	seq.s32 @!p0 s5, $0x0  }
0x1f: {  	s9 =	smul.u32 $0xF7A, s1;
	s8 =	simm.s32 @!p0 $0x1BF5;
	p2 =	por !p2, p0  }
0x20: {  	[sflag:s8] =	ssyncset.s32 @!p0 $0xFFFFF086;
	s6 =	sadd.s32 @!p0 s3, s7;
	s7 =	simm.s32 @!p0 $0x108  }
0x21: {  	s3 =	sadd.s32 s3, s9;
	s6 =	sadd.s32 @!p0 $0x88, s6;
	s7 =	simm.s32 @p2 $0x1082  }
0x22: {  	[simem:s7], [sflag:s8] =	dma.local @!p0 [hbm:s6], $0xF7A  }
0x23: {  	s9 =	sor.u32 $0xD0000000, s2;
	s6 =	simm.s32 $0x108;
	_ =	swait.ge @!p0 [sflag:s8], $0x0  }
0x24: {  	s3 =	sadd.s32 $0x88, s3;
	s6 =	simm.s32 @!p1 $0x1082;
	[sflag:s4] =	ssyncset.s32 $0xFFFFF086  }
0x25: {  	[simem:s6], [sflag:s4] =	dma.local [hbm:s3], $0xF7A  }
0x26: {  	[smem:$0x3F9F] =	sst s1;
	(tag) =	ssettag s2;
	_ =	strace s9  }
0x27: {  	s1 =	sld [smem:$0x3FAF]  }
0x28: {  	s2 =	sld [smem:$0x3FB0]  }
0x29: {  	s4 =	sld [smem:$0x3FB2]  }
0x2a: {  	p0 =	seq.s32 s5, $0x0;
	s5 =	sld [smem:$0x3FB3]  }
0x2b: {  	s6 =	sld [smem:$0x3FB4]  }
0x2c: {  	s7 =	sld [smem:$0x3FB5]  }
0x2d: {  	s3 =	simm.s32 $0x108;
	s8 =	sld [smem:$0x3FB6]  }
0x2e: {  	s3 =	simm.s32 @!p0 $0x1082;
	s9 =	sld [smem:$0x3FB7]  }
0x2f: {  	lr =	sadd.s32 s0, s3;
	s0 =	sld [smem:$0x3FAE]  }
0x30: {  	s3 =	sld [smem:$0x3FB1]  }
0x31: {  	[smem:$0x3FBA] =	sst s10  }
0x32: {  	s10 =	sld [smem:$0x3FB8];
	_ =	sdelay $0x3  }
0x33: {  	p0 =	seq.s32 s10, $0x1;
	s10 =	sld [smem:$0x3FBA];
	_ =	sdelay $0x3  }
0x34: {  	[smem:$0x3FBA] =	sst s10  }
0x35: {  	s10 =	sld [smem:$0x3FB9];
	_ =	sdelay $0x3  }
0x36: {  	p1 =	seq.s32 s10, $0x1;
	s10 =	sld [smem:$0x3FBA];
	_ =	sdelay $0x3  }
0x37: {  	[smem:$0x3FBA] =	sst s10  }
0x38: {  	s10 =	sld [smem:$0x3FBB]  }
0x39: {  	_ = 	snop;
	(pc) =	sbr.ind lr, $3  }
0x3a: {  	_ = 	snop  }
0x3b: {  	_ = 	snop  }
0x3c: {  	p2 =	seq.s32 s10, $0x1;
	s10 =	sld [smem:$0x3FBA]  }
0x3d: {  	_ =	shalt  }
0x3e: {  	_ =	shalt  }
0x3f: {  	_ =	shalt  }
0x40: {  	_ =	shalt  }
0x41: {  	_ =	shalt  }
0x42: {  	_ =	shalt  }
0x43: {  	_ =	shalt  }
0x44: {  	_ =	shalt  }
0x45: {  	_ =	shalt  }
0x46: {  	_ =	shalt  }
0x47: {  	_ =	shalt  }
0x48: {  	_ =	shalt  }
0x49: {  	_ =	shalt  }
0x4a: {  	_ =	shalt  }
0x4b: {  	_ =	shalt  }
0x4c: {  	_ =	shalt  }
0x4d: {  	_ =	shalt  }
0x4e: {  	_ =	shalt  }
0x4f: {  	_ =	shalt  }
0x50: {  	_ =	shalt  }
0x51: {  	_ =	shalt  }
0x52: {  	_ =	shalt  }
0x53: {  	_ =	shalt  }
0x54: {  	_ =	shalt  }
0x55: {  	_ =	shalt  }
0x56: {  	_ =	shalt  }
0x57: {  	_ =	shalt  }
0x58: {  	_ =	shalt  }
0x59: {  	_ =	shalt  }
0x5a: {  	_ =	shalt  }
0x5b: {  	_ =	shalt  }
0x5c: {  	_ =	shalt  }
0x5d: {  	_ =	shalt  }
0x5e: {  	_ =	shalt  }
0x5f: {  	_ =	shalt  }
0x60: {  	_ =	shalt  }
0x61: {  	_ =	shalt  }
0x62: {  	_ =	shalt  }
0x63: {  	_ =	shalt  }
0x64: {  	_ =	shalt  }
0x65: {  	_ =	shalt  }
0x66: {  	_ =	shalt  }
0x67: {  	_ =	shalt  }
0x68: {  	_ =	shalt  }
0x69: {  	_ =	shalt  }
0x6a: {  	_ =	shalt  }
0x6b: {  	_ =	shalt  }
0x6c: {  	_ =	shalt  }
0x6d: {  	_ =	shalt  }
0x6e: {  	_ =	shalt  }
0x6f: {  	_ =	shalt  }
0x70: {  	_ =	shalt  }
0x71: {  	_ =	shalt  }
0x72: {  	_ =	shalt  }
0x73: {  	_ =	shalt  }
0x74: {  	_ =	shalt  }
0x75: {  	_ =	shalt  }
0x76: {  	_ =	shalt  }
0x77: {  	_ =	shalt  }
0x78: {  	_ =	shalt  }
0x79: {  	_ =	shalt  }
0x7a: {  	_ =	shalt  }
0x7b: {  	_ =	shalt  }
0x7c: {  	_ =	shalt  }
0x7d: {  	_ =	shalt  }
0x7e: {  	_ =	shalt  }
0x7f: {  	_ =	shalt  }
0x80: {  	_ =	shalt  }
0x81: {  	_ =	shalt  }
0x82: {  	_ =	shalt  }
0x83: {  	_ =	shalt  }
0x84: {  	_ =	shalt  }
0x85: {  	_ =	shalt  }
0x86: {  	_ =	shalt  }
0x87: {  	_ =	shalt  }
.Lfunc_end0:
.L_simem_size_0:
called_computation_lowered:
.L_overlay_start_0:
0x88: {  	s2 =	sld [smem:$0x3FD9]  }
0x89: {  	s3 =	sld [smem:$0x3FFE];
	_ =	sdelay $0x1  }
0x8a: {  	s1 =	srdreg.scid  }
0x8b: {  	s0 =	sand.u32 $0x1, s1  }
0x8c: {  	s17 =	sshll.u32 s0, $0xA;
	s2 =	sadd.s32 s3, s2  }
0x8d: {  	s2 =	sadd.s32 s2, s17  }
0x8e: {  	[smem:$0x3FC6] =	sst s2  }
0x8f: {  	_ = 	snop  }
0x90: {  	s2 =	sld [smem:$0x3FC9]  }
0x91: {  	s18 =	sld [smem:$0x3FC8];
	(tm) =	ssettm $0x1  }
0x92: {  	s4 =	sld [smem:$0x3FFB];
	_ =	sdelay $0x3  }
0x93: {  	_ =	strace s4  }
0x94: {  	s4 =	sld [smem:$0x3FFC];
	_ =	sdelay $0x3  }
0x95: {  	_ =	strace s4  }
0x96: {  	s4 =	sld [smem:$0x3FFD];
	_ =	sdelay $0x3  }
0x97: {  	_ =	strace s4  }
0x98: {  	_ =	strace $0x8FFFFFFF  }
0x99: {  	s19 =	sld [smem:$0x3FDB];
	_ =	sdelay $0x1  }
0x9a: {  	s5 =	simm.s32 $_scs_section_size  }
0x9b: {  	s6 =	simm.s32 $_size__tile_overlayer_lowered;
	s7 =	simm.s32 $_tile_overlayer_lowered  }
0x9c: {  	s22 =	simm.s32 $0x1BFF;
	s21 =	sshll.u32 s7, $0x1;
	s4 =	sadd.s32 s5, s19  }
0x9d: {  	s8 =	simm.s32 $0x0;
	s20 =	sshll.u32 s6, $0x1;
	s6 =	sadd.s32 s21, s4  }
0x9e: {  	[timem:s8], [sflag:s22] =	dma.local [hbm:s6], s20  }
0x9f: {  	_ =	swait.ge [sflag:s22], s20  }
0xa0: {  	s5 =	ssub.s32 $0x0, s20;
	[sflag:s22] =	ssyncset.done $0x0  }
0xa1: {  	[sflag:s22] =	ssyncadd.s32 s5;
	_ =	sdelay $0x1  }
0xa2: {  	s23 =	simm.s32 $0x1B8B  }
0xa3: {  	_ =	swait.ge [sflag:s23], $0x1  }
0xa4: {  	[sflag:s23] =	ssyncset.done $0x0  }
0xa5: {  	s25 =	simm.s32 $0x1B8E;
	s24 =	sld [smem:$0x3FFE];
	[sflag:s23] =	ssyncadd.s32 $0xFFFFFFFF  }
0xa6: {  	s26 =	simm.s32 $execute0_lowered;
	[smem:$0x3FD2] =	sst s25  }
0xa7: {  	s6 =	sshll.u32 s26, $0x1;
	_ =	strace $0x80000046;
	[dreg:$0x1] =	wrdreg $0xFFFFFFFF  }
0xa8: {  	s28 =	simm.s32 $_size_execute0_lowered;
	s4 =	sadd.s32 s4, s6;
	[dreg:$0x0] =	wrdreg $0x0  }
0xa9: {  	s6 =	sshll.u32 s28, $0x1;
	[dreg:$0x2] =	wrdreg s4  }
0xaa: {  	[dreg:$0x3] =	wrdreg s6  }
0xab: {  	[dreg:$0x4] =	wrdreg $0xC0  }
0xac: {  	_ =	task [dreg:s8], $0x5FFFF  }
0xad: {  	[dreg:$0x1] =	wrdreg $0xFFFFFFFF  }
0xae: {  	[dreg:$0x0] =	wrdreg $0x60  }
0xaf: {  	[dreg:$0x2] =	wrdreg s2  }
0xb0: {  	[dreg:$0x3] =	wrdreg s18  }
0xb1: {  	[dreg:$0x4] =	wrdreg s24  }
0xb2: {  	[dreg:$0x5] =	wrdreg $0x9  }
0xb3: {  	_ =	task.clear_ibuf [dreg:s8], $0x6FFFF;
	_ =	strace $0x90000046  }
0xb4: {  	s29 =	simm.s32 $0x9;
	_ =	strace $0x80000048  }
0xb5: {  	_ =	swait.ge [sflag:s29], $0x1  }
0xb6: {  	[sflag:s29] =	ssyncadd.s32 $0xFFFFFFFF  }
0xb7: {  	_ =	strace $0x90000048  }
0xb8: {  	_ =	sfence  }
0xb9: {  	s30 =	sld [smem:$0x0];
	_ =	sdelay $0x2  }
0xba: {  	s31 =	sshll.u32 s1, $0xD;
	s1 =	sshrl.u32 s1, $0x2  }
0xbb: {  	s3 =	sand.u32 $0x4000, s31;
	s1 =	sadd.s32 s1, s30  }
0xbc: {  	s0 =	sor.u32 s3, s0;
	s1 =	sshll.u32 s1, $0x11  }
0xbd: {  	s0 =	sor.u32 s1, s0  }
0xbe: {  	s0 =	sadd.s32 $0x8F2B, s0  }
0xbf: {  	[sflag:s0] =	ssyncadd.remote.s32 $0x1  }
0xc0: {  	_ =	sfence.sel $0xFFFF  }
0xc1: {  	[dreg:$0x0] =	wrdreg $0xFFFFFFFF;
	(pc) =	sbr.abs _section_cstart, $3  }
0xc2: {  	[dreg:$0x1] =	wrdreg $0xFFFFFFFF  }
0xc3: {  	_ =	task.clear_ibuf [dreg:s8], $0x2FFFF;
	_ =	strace $0x9FFFFFFF  }
0xc4: {  	(tm) =	ssettm $0x7FFFFFFF  }
0xc5: {  	_ =	shalt  }
tec
execute0_lowered:
.L_overlay_start_1:
0x0: {  	(tag) =	ssettag $0x1  }
0x1: {  	s1 =	rddreg [dreg:$0x0]  }
0x2: {  	s4 =	rddreg [dreg:$0x1];
	s2 =	srdreg.scid  }
0x3: {  	s0 =	stileid.u32;
	s5 =	rddreg [dreg:$0x2]  }
0x4: {  	s3 =	simm.s32 $0x0;
	s6 =	sand.u32 $0x1, s2;
	s2 =	rddreg [dreg:$0x3]  }
0x5: {  	s11 =	simm.s32 $0x0;
	s7 =	sshll.u32 s0, $0x1;
	[smem:$0x7FF] =	sst s3  }
0x6: {  	s7 =	sor.u32 s6, s7;
	_ =	strace $0x80000047;
	s6 =	ssub.s32 $0x2, s6  }
0x7: {  	s9 =	smul.u32 $0x2710, s7;
	s8 =	sshrl.u32 s6, $0x1;
	s7 =	sshll.u32 s7, $0x4  }
0x8: {  	s6 =	ssub.s32 s6, s8;
	s5 =	sadd.s32 s5, s7;
	s7 =	simm.s32 $0x2  }
0x9: {  	v0 =	vlaneseq.u32;
	s8 =	simm.s32 $0x80;
	s10 =	sshrl.u32 s9, $0x3;
	s6 =	smax.u32 s6, $0x1  }
0xa: {  	v0 =	vor.u32 s9, v0;
	s9 =	simm.s32 $0x1;
	s4 =	sadd.s32 s4, s10;
	s10 =	simm.s32 $0x7800  }
.LBB2_1:
0xb: {  	[tilespmem:s3], [sflag:$0x2] =	stream.linear.gather [hbm4b:s4+s3], $0x2710, $0x38;
	[tilespmem:$0x7880] =	vst v63  }
0xc: {  	_ =	swait.ge [sflag:s7], $0x2710  }
0xd: {  	[sflag:s7] =	ssyncset.done $0x0  }
0xe: {  	s13 =	simm.s32 $0x40;
	[sflag:s7] =	ssyncadd.s32 $0xFFFFD8F0  }
0xf: {  	v1 =	vld [tilespmem:s13+$0xFFFFFFC0];
	_ =	sdelay $0x1  }
0x10: {  	s12 =	simm.s32 $0x0  }
0x11: {  	v2 =	vadd.s32 s12, v0  }
0x12: {  	v3 =	vmov s12;
	v2 =	vshll.u32 v2, $0x7  }
0x13: {  	vm0 =	vlt.u32 v3, $0x2710;
	v1 =	vadd.s32 v2, v1  }
0x14: {  	s12 =	simm.s32 $0x2840;
	v1 =	vnsel vm0, $0x0, v1  }
0x15: {  	[tilespmem:s12+$0xFFFFFFC0] =	vst v1  }
0x16: {  	v1 =	vld [tilespmem:s13+$0xFFFFFFD0];
	_ =	sdelay $0x1  }
0x17: {  	s14 =	simm.s32 $0x10  }
0x18: {  	v2 =	vadd.s32 s14, v0  }
0x19: {  	v3 =	vmov s14;
	v2 =	vshll.u32 v2, $0x7  }
0x1a: {  	vm9 =	vlt.u32 v3, $0x2710;
	v1 =	vadd.s32 v2, v1  }
0x1b: {  	v1 =	vnsel vm9, $0x0, v1  }
0x1c: {  	[tilespmem:s12+$0xFFFFFFD0] =	vst v1  }
0x1d: {  	v1 =	vld [tilespmem:s13+$0xFFFFFFE0];
	_ =	sdelay $0x1  }
0x1e: {  	s25 =	simm.s32 $0x20  }
0x1f: {  	v2 =	vadd.s32 s25, v0  }
0x20: {  	v3 =	vmov s25;
	v2 =	vshll.u32 v2, $0x7  }
0x21: {  	vm10 =	vlt.u32 v3, $0x2710;
	v1 =	vadd.s32 v2, v1  }
0x22: {  	v1 =	vnsel vm10, $0x0, v1  }
0x23: {  	[tilespmem:s12+$0xFFFFFFE0] =	vst v1  }
0x24: {  	v1 =	vld [tilespmem:s13+$0xFFFFFFF0];
	_ =	sdelay $0x1  }
0x25: {  	s26 =	simm.s32 $0x30  }
0x26: {  	v2 =	vadd.s32 s26, v0  }
0x27: {  	v3 =	vmov s26;
	v2 =	vshll.u32 v2, $0x7  }
0x28: {  	vm11 =	vlt.u32 v3, $0x2710;
	v1 =	vadd.s32 v2, v1  }
0x29: {  	v1 =	vnsel vm11, $0x0, v1  }
0x2a: {  	[tilespmem:s12+$0xFFFFFFF0] =	vst v1  }
0x2b: {  	v1 =	vld [tilespmem:s13+$0x0];
	_ =	sdelay $0x1  }
0x2c: {  	s28 =	simm.s32 $0x40  }
0x2d: {  	v2 =	vadd.s32 s28, v0  }
0x2e: {  	v3 =	vmov s28;
	v2 =	vshll.u32 v2, $0x7  }
0x2f: {  	vm12 =	vlt.u32 v3, $0x2710;
	v1 =	vadd.s32 v2, v1  }
0x30: {  	v1 =	vnsel vm12, $0x0, v1  }
0x31: {  	[tilespmem:s12+$0x0] =	vst v1  }
0x32: {  	v1 =	vld [tilespmem:s13+$0x10];
	_ =	sdelay $0x1  }
0x33: {  	s29 =	simm.s32 $0x50  }
0x34: {  	v2 =	vadd.s32 s29, v0  }
0x35: {  	v3 =	vmov s29;
	v2 =	vshll.u32 v2, $0x7  }
0x36: {  	vm13 =	vlt.u32 v3, $0x2710;
	v1 =	vadd.s32 v2, v1  }
0x37: {  	v1 =	vnsel vm13, $0x0, v1  }
0x38: {  	[tilespmem:s12+$0x10] =	vst v1  }
0x39: {  	v1 =	vld [tilespmem:s13+$0x20];
	_ =	sdelay $0x1  }
0x3a: {  	s30 =	simm.s32 $0x60  }
0x3b: {  	v2 =	vadd.s32 s30, v0  }
0x3c: {  	v3 =	vmov s30;
	v2 =	vshll.u32 v2, $0x7  }
0x3d: {  	vm14 =	vlt.u32 v3, $0x2710;
	v1 =	vadd.s32 v2, v1  }
0x3e: {  	v1 =	vnsel vm14, $0x0, v1  }
0x3f: {  	[tilespmem:s12+$0x20] =	vst v1  }
0x40: {  	v1 =	vld [tilespmem:s13+$0x30];
	_ =	sdelay $0x1  }
0x41: {  	s31 =	simm.s32 $0x70  }
0x42: {  	v2 =	vadd.s32 s31, v0  }
0x43: {  	v3 =	vmov s31;
	v2 =	vshll.u32 v2, $0x7  }
0x44: {  	vm15 =	vlt.u32 v3, $0x2710;
	v1 =	vadd.s32 v2, v1  }
0x45: {  	v1 =	vnsel vm15, $0x0, v1  }
0x46: {  	s13 =	simm.s32 $0xC0;
	[tilespmem:s12+$0x30] =	vst v1  }
0x47: {  	s15 =	simm.s32 $0x170;
	s14 =	simm.s32 $0xF0;
	v1 =	vld [tilespmem:s13+$0xFFFFFFC0]  }
.LBB2_2:
0x48: {  	p0 =	sne.s32 s15, $0x27F0  }
0x49: {  	s16 =	sadd.s32 $0xFFFFFF90, s14  }
0x4a: {  	v2 =	vadd.s32 s16, v0  }
0x4b: {  	v3 =	vmov s16;
	v2 =	vshll.u32 v2, $0x7  }
0x4c: {  	vm0 =	vlt.u32 v3, $0x2710;
	v1 =	vadd.s32 v2, v1  }
0x4d: {  	s12 =	sadd.s32 $0x80, s12;
	v1 =	vnsel vm0, $0x0, v1  }
0x4e: {  	[tilespmem:s12+$0xFFFFFFC0] =	vst v1  }
0x4f: {  	v1 =	vld [tilespmem:s13+$0xFFFFFFD0];
	_ =	sdelay $0x1  }
0x50: {  	s16 =	sadd.s32 $0xFFFFFFA0, s14  }
0x51: {  	v2 =	vadd.s32 s16, v0  }
0x52: {  	v3 =	vmov s16;
	v2 =	vshll.u32 v2, $0x7  }
0x53: {  	vm0 =	vlt.u32 v3, $0x2710;
	v1 =	vadd.s32 v2, v1  }
0x54: {  	v1 =	vnsel vm0, $0x0, v1  }
0x55: {  	[tilespmem:s12+$0xFFFFFFD0] =	vst v1  }
0x56: {  	v1 =	vld [tilespmem:s13+$0xFFFFFFE0];
	_ =	sdelay $0x1  }
0x57: {  	s16 =	sadd.s32 $0xFFFFFFB0, s14  }
0x58: {  	v2 =	vadd.s32 s16, v0  }
0x59: {  	v3 =	vmov s16;
	v2 =	vshll.u32 v2, $0x7  }
0x5a: {  	vm0 =	vlt.u32 v3, $0x2710;
	v1 =	vadd.s32 v2, v1  }
0x5b: {  	v1 =	vnsel vm0, $0x0, v1  }
0x5c: {  	[tilespmem:s12+$0xFFFFFFE0] =	vst v1  }
0x5d: {  	v1 =	vld [tilespmem:s13+$0xFFFFFFF0];
	_ =	sdelay $0x1  }
0x5e: {  	s16 =	sadd.s32 $0xFFFFFFC0, s14  }
0x5f: {  	v2 =	vadd.s32 s16, v0  }
0x60: {  	v3 =	vmov s16;
	v2 =	vshll.u32 v2, $0x7  }
0x61: {  	vm0 =	vlt.u32 v3, $0x2710;
	v1 =	vadd.s32 v2, v1  }
0x62: {  	v1 =	vnsel vm0, $0x0, v1  }
0x63: {  	[tilespmem:s12+$0xFFFFFFF0] =	vst v1  }
0x64: {  	v1 =	vld [tilespmem:s13+$0x0];
	_ =	sdelay $0x1  }
0x65: {  	s16 =	sadd.s32 $0xFFFFFFD0, s14  }
0x66: {  	v2 =	vadd.s32 s16, v0  }
0x67: {  	v3 =	vmov s16;
	v2 =	vshll.u32 v2, $0x7  }
0x68: {  	vm0 =	vlt.u32 v3, $0x2710;
	v1 =	vadd.s32 v2, v1  }
0x69: {  	v1 =	vnsel vm0, $0x0, v1  }
0x6a: {  	[tilespmem:s12+$0x0] =	vst v1  }
0x6b: {  	v1 =	vld [tilespmem:s13+$0x10];
	_ =	sdelay $0x1  }
0x6c: {  	s16 =	sadd.s32 $0xFFFFFFE0, s14  }
0x6d: {  	v2 =	vadd.s32 s16, v0  }
0x6e: {  	v3 =	vmov s16;
	v2 =	vshll.u32 v2, $0x7  }
0x6f: {  	vm0 =	vlt.u32 v3, $0x2710;
	v1 =	vadd.s32 v2, v1  }
0x70: {  	v1 =	vnsel vm0, $0x0, v1  }
0x71: {  	[tilespmem:s12+$0x10] =	vst v1  }
0x72: {  	v1 =	vld [tilespmem:s13+$0x20];
	_ =	sdelay $0x1  }
0x73: {  	s16 =	sadd.s32 $0xFFFFFFF0, s14  }
0x74: {  	v2 =	vadd.s32 s16, v0  }
0x75: {  	v3 =	vmov s16;
	v2 =	vshll.u32 v2, $0x7  }
0x76: {  	vm0 =	vlt.u32 v3, $0x2710;
	v1 =	vadd.s32 v2, v1  }
0x77: {  	v1 =	vnsel vm0, $0x0, v1  }
0x78: {  	[tilespmem:s12+$0x20] =	vst v1  }
0x79: {  	v1 =	vld [tilespmem:s13+$0x30];
	_ =	sdelay $0x2  }
0x7a: {  	v2 =	vadd.s32 s14, v0  }
.Ltmp0:
0x7b: {  	v3 =	vmov s14;
	s14 =	smov.u32 s15;
	v2 =	vshll.u32 v2, $0x7;
	(pc) =	sbr.rel @p0 .LBB2_2-.Ltmp0, $4  }
0x7c: {  	vm0 =	vlt.u32 v3, $0x2710;
	v1 =	vadd.s32 v2, v1  }
0x7d: {  	v1 =	vnsel vm0, $0x0, v1  }
0x7e: {  	s13 =	sadd.s32 $0x80, s13;
	[tilespmem:s12+$0x30] =	vst v1  }
0x7f: {  	s15 =	sadd.s32 $0x80, s15;
	v1 =	vld [tilespmem:s13+$0xFFFFFFC0]  }
0x80: {  	_ = 	snop  }
0x81: {  	s15 =	sadd.s32 $0xFFFFFF90, s14  }
0x82: {  	v2 =	vadd.s32 s15, v0  }
0x83: {  	v3 =	vmov s15;
	v2 =	vshll.u32 v2, $0x7  }
0x84: {  	vm0 =	vlt.u32 v3, $0x2710;
	v1 =	vadd.s32 v2, v1  }
0x85: {  	s12 =	sadd.s32 $0x80, s12;
	v1 =	vnsel vm0, $0x0, v1  }
0x86: {  	[tilespmem:s12+$0xFFFFFFC0] =	vst v1  }
0x87: {  	v1 =	vld [tilespmem:s13+$0xFFFFFFD0];
	_ =	sdelay $0x1  }
0x88: {  	s25 =	sadd.s32 $0xFFFFFFA0, s14  }
0x89: {  	v2 =	vadd.s32 s25, v0  }
0x8a: {  	v3 =	vmov s25;
	v2 =	vshll.u32 v2, $0x7  }
0x8b: {  	vm9 =	vlt.u32 v3, $0x2710;
	v1 =	vadd.s32 v2, v1  }
0x8c: {  	v1 =	vnsel vm9, $0x0, v1  }
0x8d: {  	[tilespmem:s12+$0xFFFFFFD0] =	vst v1  }
0x8e: {  	v1 =	vld [tilespmem:s13+$0xFFFFFFE0];
	_ =	sdelay $0x1  }
0x8f: {  	s26 =	sadd.s32 $0xFFFFFFB0, s14  }
0x90: {  	v2 =	vadd.s32 s26, v0  }
0x91: {  	v3 =	vmov s26;
	v2 =	vshll.u32 v2, $0x7  }
0x92: {  	vm10 =	vlt.u32 v3, $0x2710;
	v1 =	vadd.s32 v2, v1  }
0x93: {  	v1 =	vnsel vm10, $0x0, v1  }
0x94: {  	[tilespmem:s12+$0xFFFFFFE0] =	vst v1  }
0x95: {  	v1 =	vld [tilespmem:s13+$0xFFFFFFF0];
	_ =	sdelay $0x1  }
0x96: {  	s28 =	sadd.s32 $0xFFFFFFC0, s14  }
0x97: {  	v2 =	vadd.s32 s28, v0  }
0x98: {  	v3 =	vmov s28;
	v2 =	vshll.u32 v2, $0x7  }
0x99: {  	vm11 =	vlt.u32 v3, $0x2710;
	v1 =	vadd.s32 v2, v1  }
0x9a: {  	v1 =	vnsel vm11, $0x0, v1  }
0x9b: {  	[tilespmem:s12+$0xFFFFFFF0] =	vst v1  }
0x9c: {  	v1 =	vld [tilespmem:s13+$0x0];
	_ =	sdelay $0x1  }
0x9d: {  	s29 =	sadd.s32 $0xFFFFFFD0, s14  }
0x9e: {  	v2 =	vadd.s32 s29, v0  }
0x9f: {  	v3 =	vmov s29;
	v2 =	vshll.u32 v2, $0x7  }
0xa0: {  	vm12 =	vlt.u32 v3, $0x2710;
	v1 =	vadd.s32 v2, v1  }
0xa1: {  	v1 =	vnsel vm12, $0x0, v1  }
0xa2: {  	[tilespmem:s12+$0x0] =	vst v1  }
0xa3: {  	v1 =	vld [tilespmem:s13+$0x10];
	_ =	sdelay $0x1  }
0xa4: {  	s30 =	sadd.s32 $0xFFFFFFE0, s14  }
0xa5: {  	v2 =	vadd.s32 s30, v0  }
0xa6: {  	v3 =	vmov s30;
	v2 =	vshll.u32 v2, $0x7  }
0xa7: {  	vm13 =	vlt.u32 v3, $0x2710;
	v1 =	vadd.s32 v2, v1  }
0xa8: {  	v1 =	vnsel vm13, $0x0, v1  }
0xa9: {  	[tilespmem:s12+$0x10] =	vst v1  }
0xaa: {  	v1 =	vld [tilespmem:s13+$0x20];
	_ =	sdelay $0x1  }
0xab: {  	s31 =	sadd.s32 $0xFFFFFFF0, s14  }
0xac: {  	v2 =	vadd.s32 s31, v0  }
0xad: {  	v3 =	vmov s31;
	v2 =	vshll.u32 v2, $0x7  }
0xae: {  	vm14 =	vlt.u32 v3, $0x2710;
	v1 =	vadd.s32 v2, v1  }
0xaf: {  	v1 =	vnsel vm14, $0x0, v1  }
0xb0: {  	[tilespmem:s12+$0x20] =	vst v1  }
0xb1: {  	v1 =	vld [tilespmem:s13+$0x30];
	_ =	sdelay $0x2  }
0xb2: {  	v2 =	vadd.s32 s14, v0  }
0xb3: {  	v3 =	vmov s14;
	v2 =	vshll.u32 v2, $0x7  }
0xb4: {  	vm15 =	vlt.u32 v3, $0x2710;
	v1 =	vadd.s32 v2, v1  }
0xb5: {  	v1 =	vnsel vm15, $0x0, v1  }
0xb6: {  	[tilespmem:s12+$0x30] =	vst v1;
	s12 =	simm.s32 $0x0  }
.LBB2_4:
0xb7: {  	p0 =	sne.s32 s12, $0x9E00  }
.Ltmp1:
0xb8: {  	_ = 	snop;
	(pc) =	sbr.rel @p0 .LBB2_4-.Ltmp1, $4  }
0xb9: {  	_ = 	snop  }
0xba: {  	s13 =	sshra.s32 s12, $0x2  }
0xbb: {  	s12 =	sadd.s32 $0x200, s12;
	s14 =	sadd.s32 $0x5000, s13;
	s13 =	sadd.s32 $0x2800, s13  }
0xbc: {  	[tilespmem:s14], [sflag:$0x1] =	stream.indirect.gather [hbm4b:s1+s8], $0x1, s13, s8, $0xb8;
	[tilespmem:$0x7880] =	vst v63  }
0xbd: {  	s12 =	simm.s32 $0x50  }
.LBB2_6:
0xbe: {  	p0 =	sne.s32 s12, $0x1  }
.Ltmp2:
0xbf: {  	_ = 	snop;
	(pc) =	sbr.rel @p0 .LBB2_6-.Ltmp2, $4  }
0xc0: {  	_ = 	snop  }
0xc1: {  	_ =	swait.ge [sflag:s9], $0x80  }
0xc2: {  	[sflag:s9] =	ssyncset.done $0x0  }
0xc3: {  	s12 =	sadd.s32 $0xFFFFFFFF, s12;
	[sflag:s9] =	ssyncadd.s32 $0xFFFFFF80  }
0xc4: {  	s12 =	simm.s32 $0x5040  }
0xc5: {  	v1 =	vld [tilespmem:s12+$0xFFFFFFC0];
	_ =	sdelay $0x1  }
0xc6: {  	v2 =	vld [tilespmem:s12+$0xFFFFFFD0];
	_ =	sdelay $0x1  }
0xc7: {  	p0 =	por $0x1, $0x1;
	v3 =	vld [tilespmem:s12+$0xFFFFFFE0]  }
0xc8: {  	v4 =	vimm.f32 $0.0e+00;
	v1 =	vpsel !p0, $0x0, v1  }
0xc9: {  	p2 =	por $0x1, $0x1;
	v1 =	vadd.f32 v1, v4;
	v4 =	vld [tilespmem:s12+$0xFFFFFFF0]  }
0xca: {  	v2 =	vpsel !p2, $0x0, v2  }
0xcb: {  	p3 =	por $0x1, $0x1;
	v1 =	vadd.f32 v2, v1;
	v2 =	vld [tilespmem:s12+$0x0]  }
0xcc: {  	v3 =	vpsel !p3, $0x0, v3  }
0xcd: {  	p4 =	por $0x1, $0x1;
	v5 =	vld [tilespmem:s12+$0x10];
	v1 =	vadd.f32 v3, v1  }
0xce: {  	v3 =	vpsel !p4, $0x0, v4  }
0xcf: {  	p5 =	por $0x1, $0x1;
	v1 =	vadd.f32 v3, v1;
	v3 =	vld [tilespmem:s12+$0x20]  }
0xd0: {  	v2 =	vpsel !p5, $0x0, v2  }
0xd1: {  	p6 =	por $0x1, $0x1;
	v4 =	vadd.f32 v2, v1;
	v1 =	vld [tilespmem:s12+$0x30]  }
0xd2: {  	s14 =	simm.s32 $0x70;
	s13 =	simm.s32 $0x50C0;
	v5 =	vpsel !p6, $0x0, v5  }
0xd3: {  	s15 =	simm.s32 $0x170;
	p1 =	por $0x1, $0x1;
	s12 =	simm.s32 $0xF0;
	v2 =	vld [tilespmem:s13+$0xFFFFFFC0];
	v4 =	vadd.f32 v5, v4  }
.LBB2_8:
0xd4: {  	p0 =	sne.s32 s15, $0x27F0;
	v3 =	vpsel !p1, $0x0, v3  }
0xd5: {  	p1 =	slt.u32 s14, $0x2710;
	s14 =	smov.u32 s12;
	s12 =	smov.u32 s15;
	v5 =	vld [tilespmem:s13+$0xFFFFFFD0];
	v3 =	vadd.f32 v3, v4  }
0xd6: {  	s16 =	sadd.s32 $0xFFFFFF90, s14;
	v1 =	vpsel !p1, $0x0, v1  }
0xd7: {  	p1 =	slt.u32 s16, $0x2710;
	v4 =	vld [tilespmem:s13+$0xFFFFFFE0];
	v1 =	vadd.f32 v1, v3  }
0xd8: {  	s16 =	sadd.s32 $0xFFFFFFA0, s14;
	v2 =	vpsel !p1, $0x0, v2  }
0xd9: {  	p1 =	slt.u32 s16, $0x2710;
	v1 =	vadd.f32 v2, v1;
	v2 =	vld [tilespmem:s13+$0xFFFFFFF0]  }
0xda: {  	s16 =	sadd.s32 $0xFFFFFFB0, s14;
	v3 =	vpsel !p1, $0x0, v5  }
0xdb: {  	p1 =	slt.u32 s16, $0x2710;
	v1 =	vadd.f32 v3, v1;
	v5 =	vld [tilespmem:s13+$0x0]  }
0xdc: {  	s16 =	sadd.s32 $0xFFFFFFC0, s14;
	v3 =	vpsel !p1, $0x0, v4  }
0xdd: {  	p1 =	slt.u32 s16, $0x2710;
	v1 =	vadd.f32 v3, v1;
	v4 =	vld [tilespmem:s13+$0x10]  }
0xde: {  	s16 =	sadd.s32 $0xFFFFFFD0, s14;
	v2 =	vpsel !p1, $0x0, v2  }
.Ltmp3:
0xdf: {  	p1 =	slt.u32 s16, $0x2710;
	v1 =	vadd.f32 v2, v1;
	v3 =	vld [tilespmem:s13+$0x20];
	(pc) =	sbr.rel @p0 .LBB2_8-.Ltmp3, $4  }
0xe0: {  	s16 =	sadd.s32 $0xFFFFFFE0, s14;
	v2 =	vpsel !p1, $0x0, v5  }
0xe1: {  	p1 =	slt.u32 s16, $0x2710;
	v5 =	vadd.f32 v2, v1;
	v1 =	vld [tilespmem:s13+$0x30]  }
0xe2: {  	s16 =	sadd.s32 $0xFFFFFFF0, s14;
	s13 =	sadd.s32 $0x80, s13;
	v4 =	vpsel !p1, $0x0, v4  }
0xe3: {  	s15 =	sadd.s32 $0x80, s15;
	p1 =	slt.u32 s16, $0x2710;
	v2 =	vld [tilespmem:s13+$0xFFFFFFC0];
	v4 =	vadd.f32 v4, v5  }
0xe4: {  	v3 =	vpsel !p1, $0x0, v3  }
0xe5: {  	v5 =	vld [tilespmem:s13+$0xFFFFFFD0];
	p0 =	slt.u32 s14, $0x2710;
	v3 =	vadd.f32 v3, v4  }
0xe6: {  	s24 =	sadd.s32 $0xFFFFFF90, s12;
	v1 =	vpsel !p0, $0x0, v1  }
0xe7: {  	v62 =	vld [tilespmem:s13+$0xFFFFFFE0];
	p5 =	slt.u32 s24, $0x2710;
	v1 =	vadd.f32 v1, v3  }
0xe8: {  	s25 =	sadd.s32 $0xFFFFFFA0, s12;
	v2 =	vpsel !p5, $0x0, v2  }
0xe9: {  	p6 =	slt.u32 s25, $0x2710;
	v1 =	vadd.f32 v2, v1;
	v2 =	vld [tilespmem:s13+$0xFFFFFFF0]  }
0xea: {  	s26 =	sadd.s32 $0xFFFFFFB0, s12;
	v3 =	vpsel !p6, $0x0, v5  }
0xeb: {  	p1 =	slt.u32 s26, $0x2710;
	v1 =	vadd.f32 v3, v1;
	v3 =	vld [tilespmem:s13+$0x0]  }
0xec: {  	s28 =	sadd.s32 $0xFFFFFFC0, s12;
	v4 =	vpsel !p1, $0x0, v62  }
0xed: {  	v63 =	vld [tilespmem:s13+$0x10];
	p2 =	slt.u32 s28, $0x2710;
	v1 =	vadd.f32 v4, v1  }
0xee: {  	s29 =	sadd.s32 $0xFFFFFFD0, s12;
	v2 =	vpsel !p2, $0x0, v2  }
0xef: {  	p3 =	slt.u32 s29, $0x2710;
	v1 =	vadd.f32 v2, v1;
	v2 =	vld [tilespmem:s13+$0x20]  }
0xf0: {  	s30 =	sadd.s32 $0xFFFFFFE0, s12;
	v3 =	vpsel !p3, $0x0, v3  }
0xf1: {  	p4 =	slt.u32 s30, $0x2710;
	v1 =	vadd.f32 v3, v1;
	v3 =	vld [tilespmem:s13+$0x30]  }
0xf2: {  	s31 =	sadd.s32 $0xFFFFFFF0, s12;
	v4 =	vpsel !p4, $0x0, v63  }
0xf3: {  	p5 =	slt.u32 s31, $0x2710;
	v1 =	vadd.f32 v4, v1  }
0xf4: {  	v2 =	vpsel !p5, $0x0, v2  }
0xf5: {  	p6 =	slt.u32 s12, $0x2710;
	v1 =	vadd.f32 v2, v1  }
0xf6: {  	v2 =	vpsel !p6, $0x0, v3  }
0xf7: {  	s11 =	sadd.s32 $0x1, s11;
	v1 =	vadd.f32 v2, v1  }
0xf8: {  	p0 =	sne.s32 s11, s6  }
.Ltmp4:
0xf9: {  	[tilespmem:$0x7800] =	vst v1;
	(pc) =	sbr.rel @p0 .LBB2_1-.Ltmp4, $4  }
0xfa: {  	[hbm4b:s5+s3] =	stream.linear.scatter [tilespmem:s10], [sflag:$0x2], $0x80, $0x38;
	[tilespmem:$0x7880] =	vst v63  }
0xfb: {  	_ =	swait.ge [sflag:s7], $0x80  }
0xfc: {  	[sflag:s7] =	ssyncset.done $0x0  }
0xfd: {  	[sflag:s7] =	ssyncadd.s32 $0xFFFFFF80  }
0xfe: {  	_ =	sfence.sel $0x180000  }
0xff: {  	[bflag:$0x0] =	sbarrier.arrive $0xFFFF  }
0x100: {  	p0 =	sne.s32 s0, $0x0;
	_ =	strace $0x90000047  }
0x101: {  	s0 =	sadd.s32 @!p0 $0x100000, s2;
	[bflag:$0x2] =	sbarrier.arrive $0xFFFF  }
0x102: {  	[sflag:s0] =	ssyncadd.tile.s32 @!p0 $0x1;
	_ =	shalt  }
.Lfunc_end2:
_tile_overlayer_lowered:
.L_overlay_start_2:
0x103: {  	(tag) =	ssettag $0x2  }
0x104: {  	s0 =	rddreg [dreg:$0x0];
	s2 =	stileid.u32  }
0x105: {  	s1 =	rddreg [dreg:$0x1];
	p0 =	sne.s32 s2, $0x0  }
0x106: {  	s3 =	rddreg [dreg:$0x2];
	[bflag:$0x3] =	sbarrier.arrive $0xFFFF;
	s2 =	simm.s32 @!p0 $0x1C02  }
0x107: {  	[timem:s3], [sflag:s2] =	dma.local @!p0 [hbm:s0], s1  }
0x108: {  	s0 =	simm.s32 @!p0 $0x2  }
0x109: {  	_ =	swait.ge @!p0 [sflag:s0], s1  }
0x10a: {  	s1 =	ssub.s32 @!p0 $0x0, s1;
	[sflag:s0] =	ssyncset.done @!p0 $0x0  }
0x10b: {  	[sflag:s0] =	ssyncadd.s32 @!p0 s1  }
0x10c: {  	[bflag:$0x3] =	sbarrier.arrive $0xFFFF  }
0x10d: {  	_ =	shalt  }

</sc_bundles>
